<compile_context>
chip_gen: v7x
topology: tpu7x:2x2x1
jax: 0.10.2.dev20260603
libtpu: 0.0.44.dev20260713+nightly
codegen_flags: <defaults>
</compile_context>

<pallas_src>
import functools

import jax
import jax.numpy as jnp
from jax import lax
from jax.experimental import pallas as pl
from jax.experimental.pallas import tpu as pltpu
from jax.experimental.pallas import tpu_sc as plsc

N_NODES = 100000
N_EDGES = 6400000
GAMMA = 0.1

_NC = 2
_NS = 16
NPAD = 100096
RPT = NPAD // _NS
ET = N_EDGES // (_NC * _NS)
CH = 4000
NIT = ET // CH
NV = CH // 16

_MESH = plsc.VectorSubcoreMesh(
    core_axis_name="c", subcore_axis_name="s", num_cores=_NC, num_subcores=_NS
)

_f32 = jnp.float32
_i32 = jnp.int32


def _lj_coef(drx, dry):
    r2 = drx * drx + dry * dry
    r2c = jnp.maximum(r2, _f32(1e-30))
    i = lax.bitcast_convert_type(r2c, _i32)
    i = _i32(0x5F3759DF) - (i >> 1)
    y = lax.bitcast_convert_type(i, _f32)
    for _ in range(3):
        y = y * (_f32(1.5) - _f32(0.5) * r2c * y * y)
    abs_dr = r2 * y
    inv_den = _f32(1.0) / jnp.maximum(abs_dr, _f32(1e-12))
    u = jnp.minimum(y, _f32(10.0))
    u2 = u * u
    u6 = u2 * u2 * u2
    lj = _f32(4.0) * u6 * (_f32(12.0) * u6 - _f32(6.0)) * u
    return lj * inv_den


@functools.partial(
    pl.kernel,
    out_type=[jax.ShapeDtypeStruct((2 * NPAD,), _f32) for _ in range(2)],
    mesh=_MESH,
    scratch_types=[
        [pltpu.VMEM((CH,), _i32) for _ in range(2)],
        [pltpu.VMEM((CH,), _i32) for _ in range(2)],
        [pltpu.VMEM((CH,), _f32) for _ in range(2)],
        [pltpu.VMEM((CH,), _f32) for _ in range(2)],
        [pltpu.VMEM((CH,), _f32) for _ in range(2)],
        [pltpu.VMEM((CH,), _f32) for _ in range(2)],
        [pltpu.VMEM((CH,), _f32) for _ in range(2)],
        [pltpu.VMEM((CH,), _f32) for _ in range(2)],
        [pltpu.VMEM((CH,), _i32) for _ in range(2)],
        pltpu.VMEM((RPT,), _f32),
        pltpu.VMEM_SHARED((NPAD,), _f32),
        pltpu.VMEM_SHARED((NPAD,), _f32),
        pltpu.VMEM_SHARED((NPAD,), _f32),
        pltpu.VMEM_SHARED((NPAD,), _f32),
        pltpu.SemaphoreType.DMA,
        pltpu.SemaphoreType.DMA,
        pltpu.SemaphoreType.DMA,
    ],
)
def _sc_scatter(xx_hbm, xy_hbm, src_hbm, dst_hbm, outx_hbm, outy_hbm,
                sidx, didx, sxx, sxy, dxx, dxy, mgx, mgy, dscat, tbuf,
                xx_sh, xy_sh, accx_sh, accy_sh, semG, semI, semS):
    c = lax.axis_index("c")
    s = lax.axis_index("s")
    row0 = pl.multiple_of(s * RPT, 8)

    pltpu.sync_copy(xx_hbm.at[pl.ds(row0, RPT)], tbuf)
    pltpu.sync_copy(tbuf, xx_sh.at[pl.ds(row0, RPT)])
    pltpu.sync_copy(xy_hbm.at[pl.ds(row0, RPT)], tbuf)
    pltpu.sync_copy(tbuf, xy_sh.at[pl.ds(row0, RPT)])

    def _zero(i, carry):
        tbuf[pl.ds(i * 16, 16)] = jnp.zeros((16,), _f32)
        return carry

    lax.fori_loop(0, RPT // 16, _zero, 0)
    pltpu.sync_copy(tbuf, accx_sh.at[pl.ds(row0, RPT)])
    pltpu.sync_copy(tbuf, accy_sh.at[pl.ds(row0, RPT)])
    plsc.subcore_barrier()

    ebase = (c * _NS + s) * ET

    def _fire_idx(it, b):
        base = pl.multiple_of(ebase + it * CH, 8)
        pltpu.async_copy(src_hbm.at[pl.ds(base, CH)], sidx[b], semI)
        pltpu.async_copy(dst_hbm.at[pl.ds(base, CH)], didx[b], semI)

    def _wait_idx(b):
        pltpu.make_async_copy(src_hbm.at[pl.ds(0, CH)], sidx[b], semI).wait()
        pltpu.make_async_copy(dst_hbm.at[pl.ds(0, CH)], didx[b], semI).wait()

    def _fire_gathers(b):
        pltpu.async_copy(xx_sh.at[sidx[b]], sxx[b], semG)
        pltpu.async_copy(xy_sh.at[sidx[b]], sxy[b], semG)
        pltpu.async_copy(xx_sh.at[didx[b]], dxx[b], semG)
        pltpu.async_copy(xy_sh.at[didx[b]], dxy[b], semG)

    def _wait_gathers(b):
        pltpu.make_async_copy(xx_sh.at[sidx[b]], sxx[b], semG).wait()
        pltpu.make_async_copy(xy_sh.at[sidx[b]], sxy[b], semG).wait()
        pltpu.make_async_copy(xx_sh.at[didx[b]], dxx[b], semG).wait()
        pltpu.make_async_copy(xy_sh.at[didx[b]], dxy[b], semG).wait()

    def _step(it, b, nb):
        @pl.when(it + 1 < NIT)
        def _():
            _wait_idx(nb)
            _fire_gathers(nb)

        _wait_gathers(b)

        def _vec(i, carry2):
            o = pl.ds(i * 16, 16)
            drx = dxx[b][o] - sxx[b][o]
            dry = dxy[b][o] - sxy[b][o]
            cc = _lj_coef(drx, dry)
            mgx[b][o] = cc * drx
            mgy[b][o] = cc * dry
            dscat[b][o] = didx[b][o]
            return carry2

        lax.fori_loop(0, NV, _vec, 0)

        @pl.when(it > 0)
        def _():
            pltpu.make_async_copy(mgx[nb], accx_sh.at[dscat[nb]], semS).wait()
            pltpu.make_async_copy(mgy[nb], accy_sh.at[dscat[nb]], semS).wait()

        pltpu.async_copy(mgx[b], accx_sh.at[dscat[b]], semS, add=True)
        pltpu.async_copy(mgy[b], accy_sh.at[dscat[b]], semS, add=True)

        @pl.when(it + 2 < NIT)
        def _():
            _fire_idx(it + 2, b)

    base0 = pl.multiple_of(ebase, 8)
    pltpu.sync_copy(src_hbm.at[pl.ds(base0, CH)], sidx[0])
    pltpu.sync_copy(dst_hbm.at[pl.ds(base0, CH)], didx[0])
    _fire_gathers(0)
    _fire_idx(1, 1)

    def _outer(g, carry):
        _step(g * 2, 0, 1)
        _step(g * 2 + 1, 1, 0)
        return carry

    lax.fori_loop(0, NIT // 2, _outer, 0)
    _fb = (NIT - 1) % 2
    pltpu.make_async_copy(mgx[_fb], accx_sh.at[dscat[_fb]], semS).wait()
    pltpu.make_async_copy(mgy[_fb], accy_sh.at[dscat[_fb]], semS).wait()

    plsc.subcore_barrier()
    orow = pl.multiple_of(c * NPAD + row0, 8)
    pltpu.sync_copy(accx_sh.at[pl.ds(row0, RPT)], tbuf)
    pltpu.sync_copy(tbuf, outx_hbm.at[pl.ds(orow, RPT)])
    pltpu.sync_copy(accy_sh.at[pl.ds(row0, RPT)], tbuf)
    pltpu.sync_copy(tbuf, outy_hbm.at[pl.ds(orow, RPT)])


_ROWS = NPAD // 128


def _combine_body(px0, px1, py0, py1, vx, vy, ax, ay):
    ax[...] = px0[...] + px1[...] - _f32(GAMMA) * vx[...]
    ay[...] = py0[...] + py1[...] - _f32(GAMMA) * vy[...]


_combine = pl.pallas_call(
    _combine_body,
    out_shape=[jax.ShapeDtypeStruct((_ROWS, 128), _f32) for _ in range(2)],
)


def kernel(x, v, edge_index):
    pad = NPAD - N_NODES
    xxp = jnp.pad(x[:, 0], (0, pad))
    xyp = jnp.pad(x[:, 1], (0, pad))
    src = edge_index[0]
    dst = edge_index[1]
    px, py = _sc_scatter(xxp, xyp, src, dst)
    px0 = px[:NPAD].reshape(_ROWS, 128)
    px1 = px[NPAD:].reshape(_ROWS, 128)
    py0 = py[:NPAD].reshape(_ROWS, 128)
    py1 = py[NPAD:].reshape(_ROWS, 128)
    vx = jnp.pad(v[:, 0], (0, pad)).reshape(_ROWS, 128)
    vy = jnp.pad(v[:, 1], (0, pad)).reshape(_ROWS, 128)
    ax, ay = _combine(px0, px1, py0, py1, vx, vy)
    return jnp.stack([ax.reshape(-1)[:N_NODES], ay.reshape(-1)[:N_NODES]], axis=-1)

# --- scband reference (transcript-rebuilt; emitter-appended) ---
"""Pipeline reference for scband-interaction-module-9517647528245 (READ-ONLY COPY).

The authoritative reference and input builder live on the scoring server;
editing this copy changes nothing except your own understanding.
"""

import jax, jax.numpy as jnp
import numpy as np

N_NODES = 100000
N_EDGES = 6400000
C = 1.0
R_C = 1.0
P = 12
Q = 6
GAMMA = 0.1
MIN_R = 0.1
EPS = 1e-12


def setup_inputs(seed: int = 0) -> dict:
    key = jax.random.key(seed)
    k1, k2, k3 = jax.random.split(key, 3)
    x = jax.random.uniform(k1, (N_NODES, 2), dtype=jnp.float32)
    v = jax.random.normal(k2, (N_NODES, 2), dtype=jnp.float32)
    edge_index = jax.random.randint(k3, (2, N_EDGES), 0, N_NODES, dtype=jnp.int32)
    return {"x": x, "v": v, "edge_index": edge_index}


def _lj_force(r_in):
    # r = r_in * (r_in > min_r) + min_r * (r_in <= min_r)
    r = jnp.where(r_in > MIN_R, r_in, MIN_R)
    return 4.0 * C * (R_C / r) ** Q * (P * (R_C / r) ** (P - Q) - Q) / r


def reference(x, v, edge_index):
    src = edge_index[0]
    dst = edge_index[1]
    # message along each edge: dr = pos[dst] - pos[src] (non-periodic euclid distance)
    dr = jnp.take(x, dst, axis=0) - jnp.take(x, src, axis=0)
    abs_dr = jnp.linalg.norm(dr, axis=-1, keepdims=True)
    # F.normalize(dr, dim=-1): dr / max(||dr||, eps)
    unit_dr = dr / jnp.maximum(abs_dr, EPS)
    msg = _lj_force(abs_dr) * unit_dr
    # update_all with fn.sum: scatter-add messages onto destination nodes
    a = jax.ops.segment_sum(msg, dst, num_segments=x.shape[0])
    # a = a - gamma * v (damping)
    a = a - GAMMA * v
    return a

if __name__ == "__main__":
    import jax
    _d = setup_inputs()
    print(jax.jit(kernel)(*tuple(_d.values())))

</pallas_src>

<mosaic_0001>
#map = affine_map<(d0, d1) -> (0)>
module attributes {stable_mosaic.version = 14 : i64} {
  func.func @_sc_scatter(%arg0: i32, %arg1: i32, %arg2: memref<100096xf32, #tpu.memory_space<hbm>>, %arg3: memref<100096xf32, #tpu.memory_space<hbm>>, %arg4: memref<6400000xi32, #tpu.memory_space<hbm>>, %arg5: memref<6400000xi32, #tpu.memory_space<hbm>>, %arg6: memref<200192xf32, #tpu.memory_space<hbm>>, %arg7: memref<200192xf32, #tpu.memory_space<hbm>>, %arg8: memref<4000xi32, #tpu.memory_space<vmem>>, %arg9: memref<4000xi32, #tpu.memory_space<vmem>>, %arg10: memref<4000xi32, #tpu.memory_space<vmem>>, %arg11: memref<4000xi32, #tpu.memory_space<vmem>>, %arg12: memref<4000xf32, #tpu.memory_space<vmem>>, %arg13: memref<4000xf32, #tpu.memory_space<vmem>>, %arg14: memref<4000xf32, #tpu.memory_space<vmem>>, %arg15: memref<4000xf32, #tpu.memory_space<vmem>>, %arg16: memref<4000xf32, #tpu.memory_space<vmem>>, %arg17: memref<4000xf32, #tpu.memory_space<vmem>>, %arg18: memref<4000xf32, #tpu.memory_space<vmem>>, %arg19: memref<4000xf32, #tpu.memory_space<vmem>>, %arg20: memref<4000xf32, #tpu.memory_space<vmem>>, %arg21: memref<4000xf32, #tpu.memory_space<vmem>>, %arg22: memref<4000xf32, #tpu.memory_space<vmem>>, %arg23: memref<4000xf32, #tpu.memory_space<vmem>>, %arg24: memref<4000xi32, #tpu.memory_space<vmem>>, %arg25: memref<4000xi32, #tpu.memory_space<vmem>>, %arg26: memref<6256xf32, #tpu.memory_space<vmem>>, %arg27: memref<100096xf32, #tpu.memory_space<vmem_shared>>, %arg28: memref<100096xf32, #tpu.memory_space<vmem_shared>>, %arg29: memref<100096xf32, #tpu.memory_space<vmem_shared>>, %arg30: memref<100096xf32, #tpu.memory_space<vmem_shared>>, %arg31: memref<!tpu.dma_semaphore, #tpu.memory_space<semaphore_mem>>, %arg32: memref<!tpu.dma_semaphore, #tpu.memory_space<semaphore_mem>>, %arg33: memref<!tpu.dma_semaphore, #tpu.memory_space<semaphore_mem>>) attributes {dimension_semantics = [#tpu.dimension_semantics<core_parallel>, #tpu.dimension_semantics<subcore_parallel>], iteration_bounds = array<i64: 2, 16>, scalar_prefetch = 0 : i64, scratch_operands = 26 : i64, tpu.core_type = #tpu.core_type<sc_vector_subcore>, window_params = [{transform_indices = #map}, {transform_indices = #map}, {transform_indices = #map}, {transform_indices = #map}, {transform_indices = #map}, {transform_indices = #map}]} {
    %mul3A = arith.constant 6256 : i32
    %mul3A_0 = arith.muli %arg1, %mul3A : i32
    %multiple_of3A = tpu.assume_multiple %mul3A_0, 8 : i32
    "tpu.region"() ({
      %run_scoped3A = tpu.sem_alloc : memref<!tpu.dma_semaphore, #tpu.memory_space<semaphore_mem>>
      %dma_start3A_39 = tpu.memref_slice %arg2[%multiple_of3A] : memref<100096xf32, #tpu.memory_space<hbm>> -> memref<6256xf32, #tpu.memory_space<hbm>>
      %dma_start3A_40 = tpu.memref_slice %arg2[%multiple_of3A] : memref<100096xf32, #tpu.memory_space<hbm>> -> memref<6256xf32, #tpu.memory_space<hbm>>
      tpu.enqueue_dma source(%dma_start3A_40 : memref<6256xf32, #tpu.memory_space<hbm>>) target(%arg26 : memref<6256xf32, #tpu.memory_space<vmem>>) target_semaphore(%run_scoped3A : memref<!tpu.dma_semaphore, #tpu.memory_space<semaphore_mem>>)
      %dma_wait3A_41 = tpu.memref_slice %arg2[%multiple_of3A] : memref<100096xf32, #tpu.memory_space<hbm>> -> memref<6256xf32, #tpu.memory_space<hbm>>
      %dma_wait3A_42 = tpu.memref_slice %arg2[%multiple_of3A] : memref<100096xf32, #tpu.memory_space<hbm>> -> memref<6256xf32, #tpu.memory_space<hbm>>
      tpu.wait_dma2 semaphore(%run_scoped3A : memref<!tpu.dma_semaphore, #tpu.memory_space<semaphore_mem>>) src(%dma_wait3A_42 : memref<6256xf32, #tpu.memory_space<hbm>>) dst(%arg26 : memref<6256xf32, #tpu.memory_space<vmem>>)
      tpu.yield
    }) : () -> ()
    "tpu.region"() ({
      %run_scoped3A = tpu.sem_alloc : memref<!tpu.dma_semaphore, #tpu.memory_space<semaphore_mem>>
      %dma_start3A_39 = tpu.memref_slice %arg27[%multiple_of3A] : memref<100096xf32, #tpu.memory_space<vmem_shared>> -> memref<6256xf32, #tpu.memory_space<vmem_shared>>
      %dma_start3A_40 = tpu.memref_slice %arg27[%multiple_of3A] : memref<100096xf32, #tpu.memory_space<vmem_shared>> -> memref<6256xf32, #tpu.memory_space<vmem_shared>>
      tpu.enqueue_dma source(%arg26 : memref<6256xf32, #tpu.memory_space<vmem>>) target(%dma_start3A_40 : memref<6256xf32, #tpu.memory_space<vmem_shared>>) target_semaphore(%run_scoped3A : memref<!tpu.dma_semaphore, #tpu.memory_space<semaphore_mem>>)
      %dma_wait3A_41 = tpu.memref_slice %arg27[%multiple_of3A] : memref<100096xf32, #tpu.memory_space<vmem_shared>> -> memref<6256xf32, #tpu.memory_space<vmem_shared>>
      %dma_wait3A_42 = tpu.memref_slice %arg27[%multiple_of3A] : memref<100096xf32, #tpu.memory_space<vmem_shared>> -> memref<6256xf32, #tpu.memory_space<vmem_shared>>
      tpu.wait_dma2 semaphore(%run_scoped3A : memref<!tpu.dma_semaphore, #tpu.memory_space<semaphore_mem>>) src(%arg26 : memref<6256xf32, #tpu.memory_space<vmem>>) dst(%dma_wait3A_42 : memref<6256xf32, #tpu.memory_space<vmem_shared>>)
      tpu.yield
    }) : () -> ()
    "tpu.region"() ({
      %run_scoped3A = tpu.sem_alloc : memref<!tpu.dma_semaphore, #tpu.memory_space<semaphore_mem>>
      %dma_start3A_39 = tpu.memref_slice %arg3[%multiple_of3A] : memref<100096xf32, #tpu.memory_space<hbm>> -> memref<6256xf32, #tpu.memory_space<hbm>>
      %dma_start3A_40 = tpu.memref_slice %arg3[%multiple_of3A] : memref<100096xf32, #tpu.memory_space<hbm>> -> memref<6256xf32, #tpu.memory_space<hbm>>
      tpu.enqueue_dma source(%dma_start3A_40 : memref<6256xf32, #tpu.memory_space<hbm>>) target(%arg26 : memref<6256xf32, #tpu.memory_space<vmem>>) target_semaphore(%run_scoped3A : memref<!tpu.dma_semaphore, #tpu.memory_space<semaphore_mem>>)
      %dma_wait3A_41 = tpu.memref_slice %arg3[%multiple_of3A] : memref<100096xf32, #tpu.memory_space<hbm>> -> memref<6256xf32, #tpu.memory_space<hbm>>
      %dma_wait3A_42 = tpu.memref_slice %arg3[%multiple_of3A] : memref<100096xf32, #tpu.memory_space<hbm>> -> memref<6256xf32, #tpu.memory_space<hbm>>
      tpu.wait_dma2 semaphore(%run_scoped3A : memref<!tpu.dma_semaphore, #tpu.memory_space<semaphore_mem>>) src(%dma_wait3A_42 : memref<6256xf32, #tpu.memory_space<hbm>>) dst(%arg26 : memref<6256xf32, #tpu.memory_space<vmem>>)
      tpu.yield
    }) : () -> ()
    "tpu.region"() ({
      %run_scoped3A = tpu.sem_alloc : memref<!tpu.dma_semaphore, #tpu.memory_space<semaphore_mem>>
      %dma_start3A_39 = tpu.memref_slice %arg28[%multiple_of3A] : memref<100096xf32, #tpu.memory_space<vmem_shared>> -> memref<6256xf32, #tpu.memory_space<vmem_shared>>
      %dma_start3A_40 = tpu.memref_slice %arg28[%multiple_of3A] : memref<100096xf32, #tpu.memory_space<vmem_shared>> -> memref<6256xf32, #tpu.memory_space<vmem_shared>>
      tpu.enqueue_dma source(%arg26 : memref<6256xf32, #tpu.memory_space<vmem>>) target(%dma_start3A_40 : memref<6256xf32, #tpu.memory_space<vmem_shared>>) target_semaphore(%run_scoped3A : memref<!tpu.dma_semaphore, #tpu.memory_space<semaphore_mem>>)
      %dma_wait3A_41 = tpu.memref_slice %arg28[%multiple_of3A] : memref<100096xf32, #tpu.memory_space<vmem_shared>> -> memref<6256xf32, #tpu.memory_space<vmem_shared>>
      %dma_wait3A_42 = tpu.memref_slice %arg28[%multiple_of3A] : memref<100096xf32, #tpu.memory_space<vmem_shared>> -> memref<6256xf32, #tpu.memory_space<vmem_shared>>
      tpu.wait_dma2 semaphore(%run_scoped3A : memref<!tpu.dma_semaphore, #tpu.memory_space<semaphore_mem>>) src(%arg26 : memref<6256xf32, #tpu.memory_space<vmem>>) dst(%dma_wait3A_42 : memref<6256xf32, #tpu.memory_space<vmem_shared>>)
      tpu.yield
    }) : () -> ()
    %scan3A = arith.constant 0 : i32
    %scan3A_1 = arith.constant 0 : i32
    %scan3A_2 = arith.constant 391 : i32
    %scan3A_3 = arith.addi %scan3A_1, %scan3A_2 : i32
    %scan3A_4 = arith.constant 1 : i32
    scf.for %scan3A_39 = %scan3A_1 to %scan3A_3 step %scan3A_4  : i32 {
      %broadcast_in_dim3A = arith.constant 0.000000e+00 : f32
      %broadcast_in_dim3A_40 = vector.broadcast %broadcast_in_dim3A : f32 to vector<16xf32>
      %mul3A_41 = arith.constant 16 : i32
      %mul3A_42 = arith.muli %scan3A_39, %mul3A_41 : i32
      %swap3A = arith.index_cast %mul3A_42 : i32 to index
      %swap3A_43 = tpu.vector_load %arg26[%swap3A] {strides = array<i32>} : memref<6256xf32, #tpu.memory_space<vmem>>, vector<16xf32>,
      %swap3A_44 = vector.shape_cast %swap3A_43 : vector<16xf32> to vector<16xf32>
      %swap3A_45 = vector.shape_cast %broadcast_in_dim3A_40 : vector<16xf32> to vector<16xf32>
      tpu.vector_store %arg26[%swap3A], %swap3A_45 {strides = array<i32>} : memref<6256xf32, #tpu.memory_space<vmem>>, vector<16xf32>,
    }
    %scan3A_5 = arith.constant 391 : i32
    "tpu.region"() ({
      %run_scoped3A = tpu.sem_alloc : memref<!tpu.dma_semaphore, #tpu.memory_space<semaphore_mem>>
      %dma_start3A_39 = tpu.memref_slice %arg29[%multiple_of3A] : memref<100096xf32, #tpu.memory_space<vmem_shared>> -> memref<6256xf32, #tpu.memory_space<vmem_shared>>
      %dma_start3A_40 = tpu.memref_slice %arg29[%multiple_of3A] : memref<100096xf32, #tpu.memory_space<vmem_shared>> -> memref<6256xf32, #tpu.memory_space<vmem_shared>>
      tpu.enqueue_dma source(%arg26 : memref<6256xf32, #tpu.memory_space<vmem>>) target(%dma_start3A_40 : memref<6256xf32, #tpu.memory_space<vmem_shared>>) target_semaphore(%run_scoped3A : memref<!tpu.dma_semaphore, #tpu.memory_space<semaphore_mem>>)
      %dma_wait3A_41 = tpu.memref_slice %arg29[%multiple_of3A] : memref<100096xf32, #tpu.memory_space<vmem_shared>> -> memref<6256xf32, #tpu.memory_space<vmem_shared>>
      %dma_wait3A_42 = tpu.memref_slice %arg29[%multiple_of3A] : memref<100096xf32, #tpu.memory_space<vmem_shared>> -> memref<6256xf32, #tpu.memory_space<vmem_shared>>
      tpu.wait_dma2 semaphore(%run_scoped3A : memref<!tpu.dma_semaphore, #tpu.memory_space<semaphore_mem>>) src(%arg26 : memref<6256xf32, #tpu.memory_space<vmem>>) dst(%dma_wait3A_42 : memref<6256xf32, #tpu.memory_space<vmem_shared>>)
      tpu.yield
    }) : () -> ()
    "tpu.region"() ({
      %run_scoped3A = tpu.sem_alloc : memref<!tpu.dma_semaphore, #tpu.memory_space<semaphore_mem>>
      %dma_start3A_39 = tpu.memref_slice %arg30[%multiple_of3A] : memref<100096xf32, #tpu.memory_space<vmem_shared>> -> memref<6256xf32, #tpu.memory_space<vmem_shared>>
      %dma_start3A_40 = tpu.memref_slice %arg30[%multiple_of3A] : memref<100096xf32, #tpu.memory_space<vmem_shared>> -> memref<6256xf32, #tpu.memory_space<vmem_shared>>
      tpu.enqueue_dma source(%arg26 : memref<6256xf32, #tpu.memory_space<vmem>>) target(%dma_start3A_40 : memref<6256xf32, #tpu.memory_space<vmem_shared>>) target_semaphore(%run_scoped3A : memref<!tpu.dma_semaphore, #tpu.memory_space<semaphore_mem>>)
      %dma_wait3A_41 = tpu.memref_slice %arg30[%multiple_of3A] : memref<100096xf32, #tpu.memory_space<vmem_shared>> -> memref<6256xf32, #tpu.memory_space<vmem_shared>>
      %dma_wait3A_42 = tpu.memref_slice %arg30[%multiple_of3A] : memref<100096xf32, #tpu.memory_space<vmem_shared>> -> memref<6256xf32, #tpu.memory_space<vmem_shared>>
      tpu.wait_dma2 semaphore(%run_scoped3A : memref<!tpu.dma_semaphore, #tpu.memory_space<semaphore_mem>>) src(%arg26 : memref<6256xf32, #tpu.memory_space<vmem>>) dst(%dma_wait3A_42 : memref<6256xf32, #tpu.memory_space<vmem_shared>>)
      tpu.yield
    }) : () -> ()
    %barrier3A = arith.constant 0 : index
    tpu.barrier barrier_id(%barrier3A)
    %mul3A_6 = arith.constant 16 : i32
    %mul3A_7 = arith.muli %arg0, %mul3A_6 : i32
    %add3A = arith.addi %mul3A_7, %arg1 : i32
    %mul3A_8 = arith.constant 200000 : i32
    %mul3A_9 = arith.muli %add3A, %mul3A_8 : i32
    %multiple_of3A_10 = tpu.assume_multiple %mul3A_9, 8 : i32
    "tpu.region"() ({
      %run_scoped3A = tpu.sem_alloc : memref<!tpu.dma_semaphore, #tpu.memory_space<semaphore_mem>>
      %dma_start3A_39 = tpu.memref_slice %arg4[%multiple_of3A_10] : memref<6400000xi32, #tpu.memory_space<hbm>> -> memref<4000xi32, #tpu.memory_space<hbm>>
      %dma_start3A_40 = tpu.memref_slice %arg4[%multiple_of3A_10] : memref<6400000xi32, #tpu.memory_space<hbm>> -> memref<4000xi32, #tpu.memory_space<hbm>>
      tpu.enqueue_dma source(%dma_start3A_40 : memref<4000xi32, #tpu.memory_space<hbm>>) target(%arg8 : memref<4000xi32, #tpu.memory_space<vmem>>) target_semaphore(%run_scoped3A : memref<!tpu.dma_semaphore, #tpu.memory_space<semaphore_mem>>)
      %dma_wait3A_41 = tpu.memref_slice %arg4[%multiple_of3A_10] : memref<6400000xi32, #tpu.memory_space<hbm>> -> memref<4000xi32, #tpu.memory_space<hbm>>
      %dma_wait3A_42 = tpu.memref_slice %arg4[%multiple_of3A_10] : memref<6400000xi32, #tpu.memory_space<hbm>> -> memref<4000xi32, #tpu.memory_space<hbm>>
      tpu.wait_dma2 semaphore(%run_scoped3A : memref<!tpu.dma_semaphore, #tpu.memory_space<semaphore_mem>>) src(%dma_wait3A_42 : memref<4000xi32, #tpu.memory_space<hbm>>) dst(%arg8 : memref<4000xi32, #tpu.memory_space<vmem>>)
      tpu.yield
    }) : () -> ()
    "tpu.region"() ({
      %run_scoped3A = tpu.sem_alloc : memref<!tpu.dma_semaphore, #tpu.memory_space<semaphore_mem>>
      %dma_start3A_39 = tpu.memref_slice %arg5[%multiple_of3A_10] : memref<6400000xi32, #tpu.memory_space<hbm>> -> memref<4000xi32, #tpu.memory_space<hbm>>
      %dma_start3A_40 = tpu.memref_slice %arg5[%multiple_of3A_10] : memref<6400000xi32, #tpu.memory_space<hbm>> -> memref<4000xi32, #tpu.memory_space<hbm>>
      tpu.enqueue_dma source(%dma_start3A_40 : memref<4000xi32, #tpu.memory_space<hbm>>) target(%arg10 : memref<4000xi32, #tpu.memory_space<vmem>>) target_semaphore(%run_scoped3A : memref<!tpu.dma_semaphore, #tpu.memory_space<semaphore_mem>>)
      %dma_wait3A_41 = tpu.memref_slice %arg5[%multiple_of3A_10] : memref<6400000xi32, #tpu.memory_space<hbm>> -> memref<4000xi32, #tpu.memory_space<hbm>>
      %dma_wait3A_42 = tpu.memref_slice %arg5[%multiple_of3A_10] : memref<6400000xi32, #tpu.memory_space<hbm>> -> memref<4000xi32, #tpu.memory_space<hbm>>
      tpu.wait_dma2 semaphore(%run_scoped3A : memref<!tpu.dma_semaphore, #tpu.memory_space<semaphore_mem>>) src(%dma_wait3A_42 : memref<4000xi32, #tpu.memory_space<hbm>>) dst(%arg10 : memref<4000xi32, #tpu.memory_space<vmem>>)
      tpu.yield
    }) : () -> ()
    %dma_start3A = arith.constant 0 : i32
    %dma_start3A_11 = tpu.memref_slice %arg27[%dma_start3A] : memref<100096xf32, #tpu.memory_space<vmem_shared>> -> memref<100096xf32, #tpu.memory_space<vmem_shared>>
    tpu.enqueue_indirect_dma source(%dma_start3A_11 : memref<100096xf32, #tpu.memory_space<vmem_shared>>) target(%arg12 : memref<4000xf32, #tpu.memory_space<vmem>>) offsets(%arg8 : memref<4000xi32, #tpu.memory_space<vmem>>) semaphore(%arg31 : memref<!tpu.dma_semaphore, #tpu.memory_space<semaphore_mem>>)
    %dma_start3A_12 = arith.constant 0 : i32
    %dma_start3A_13 = tpu.memref_slice %arg28[%dma_start3A_12] : memref<100096xf32, #tpu.memory_space<vmem_shared>> -> memref<100096xf32, #tpu.memory_space<vmem_shared>>
    tpu.enqueue_indirect_dma source(%dma_start3A_13 : memref<100096xf32, #tpu.memory_space<vmem_shared>>) target(%arg14 : memref<4000xf32, #tpu.memory_space<vmem>>) offsets(%arg8 : memref<4000xi32, #tpu.memory_space<vmem>>) semaphore(%arg31 : memref<!tpu.dma_semaphore, #tpu.memory_space<semaphore_mem>>)
    %dma_start3A_14 = arith.constant 0 : i32
    %dma_start3A_15 = tpu.memref_slice %arg27[%dma_start3A_14] : memref<100096xf32, #tpu.memory_space<vmem_shared>> -> memref<100096xf32, #tpu.memory_space<vmem_shared>>
    tpu.enqueue_indirect_dma source(%dma_start3A_15 : memref<100096xf32, #tpu.memory_space<vmem_shared>>) target(%arg16 : memref<4000xf32, #tpu.memory_space<vmem>>) offsets(%arg10 : memref<4000xi32, #tpu.memory_space<vmem>>) semaphore(%arg31 : memref<!tpu.dma_semaphore, #tpu.memory_space<semaphore_mem>>)
    %dma_start3A_16 = arith.constant 0 : i32
    %dma_start3A_17 = tpu.memref_slice %arg28[%dma_start3A_16] : memref<100096xf32, #tpu.memory_space<vmem_shared>> -> memref<100096xf32, #tpu.memory_space<vmem_shared>>
    tpu.enqueue_indirect_dma source(%dma_start3A_17 : memref<100096xf32, #tpu.memory_space<vmem_shared>>) target(%arg18 : memref<4000xf32, #tpu.memory_space<vmem>>) offsets(%arg10 : memref<4000xi32, #tpu.memory_space<vmem>>) semaphore(%arg31 : memref<!tpu.dma_semaphore, #tpu.memory_space<semaphore_mem>>)
    %add3A_18 = arith.constant 4000 : i32
    %add3A_19 = arith.addi %mul3A_9, %add3A_18 : i32
    %multiple_of3A_20 = tpu.assume_multiple %add3A_19, 8 : i32
    %dma_start3A_21 = tpu.memref_slice %arg4[%multiple_of3A_20] : memref<6400000xi32, #tpu.memory_space<hbm>> -> memref<4000xi32, #tpu.memory_space<hbm>>
    %dma_start3A_22 = tpu.memref_slice %arg4[%multiple_of3A_20] : memref<6400000xi32, #tpu.memory_space<hbm>> -> memref<4000xi32, #tpu.memory_space<hbm>>
    tpu.enqueue_dma source(%dma_start3A_22 : memref<4000xi32, #tpu.memory_space<hbm>>) target(%arg9 : memref<4000xi32, #tpu.memory_space<vmem>>) target_semaphore(%arg32 : memref<!tpu.dma_semaphore, #tpu.memory_space<semaphore_mem>>)
    %dma_start3A_23 = tpu.memref_slice %arg5[%multiple_of3A_20] : memref<6400000xi32, #tpu.memory_space<hbm>> -> memref<4000xi32, #tpu.memory_space<hbm>>
    %dma_start3A_24 = tpu.memref_slice %arg5[%multiple_of3A_20] : memref<6400000xi32, #tpu.memory_space<hbm>> -> memref<4000xi32, #tpu.memory_space<hbm>>
    tpu.enqueue_dma source(%dma_start3A_24 : memref<4000xi32, #tpu.memory_space<hbm>>) target(%arg11 : memref<4000xi32, #tpu.memory_space<vmem>>) target_semaphore(%arg32 : memref<!tpu.dma_semaphore, #tpu.memory_space<semaphore_mem>>)
    %scan3A_25 = arith.constant 0 : i32
    %scan3A_26 = arith.constant 0 : i32
    %scan3A_27 = arith.constant 25 : i32
    %scan3A_28 = arith.addi %scan3A_26, %scan3A_27 : i32
    %scan3A_29 = arith.constant 1 : i32
    scf.for %scan3A_39 = %scan3A_26 to %scan3A_28 step %scan3A_29  : i32 {
      %mul3A_40 = arith.constant 2 : i32
      %mul3A_41 = arith.muli %scan3A_39, %mul3A_40 : i32
      %add3A_42 = arith.constant 1 : i32
      %add3A_43 = arith.addi %mul3A_41, %add3A_42 : i32
      %lt3A = arith.constant 50 : i32
      %lt3A_44 = arith.cmpi slt, %add3A_43, %lt3A : i32
      %convert_element_type3A = arith.extui %lt3A_44 : i1 to i32
      %cond3A = arith.constant 0 : i32
      %cond3A_45 = arith.cmpi ne, %convert_element_type3A, %cond3A : i32
      scf.if %cond3A_45 {
        %dma_wait3A_116 = arith.constant 0 : i32
        %dma_wait3A_117 = tpu.memref_slice %arg4[%dma_wait3A_116] : memref<6400000xi32, #tpu.memory_space<hbm>> -> memref<4000xi32, #tpu.memory_space<hbm>>
        %dma_wait3A_118 = arith.constant 0 : i32
        %dma_wait3A_119 = tpu.memref_slice %arg4[%dma_wait3A_118] : memref<6400000xi32, #tpu.memory_space<hbm>> -> memref<4000xi32, #tpu.memory_space<hbm>>
        tpu.wait_dma2 semaphore(%arg32 : memref<!tpu.dma_semaphore, #tpu.memory_space<semaphore_mem>>) src(%dma_wait3A_119 : memref<4000xi32, #tpu.memory_space<hbm>>) dst(%arg9 : memref<4000xi32, #tpu.memory_space<vmem>>)
        %dma_wait3A_120 = arith.constant 0 : i32
        %dma_wait3A_121 = tpu.memref_slice %arg5[%dma_wait3A_120] : memref<6400000xi32, #tpu.memory_space<hbm>> -> memref<4000xi32, #tpu.memory_space<hbm>>
        %dma_wait3A_122 = arith.constant 0 : i32
        %dma_wait3A_123 = tpu.memref_slice %arg5[%dma_wait3A_122] : memref<6400000xi32, #tpu.memory_space<hbm>> -> memref<4000xi32, #tpu.memory_space<hbm>>
        tpu.wait_dma2 semaphore(%arg32 : memref<!tpu.dma_semaphore, #tpu.memory_space<semaphore_mem>>) src(%dma_wait3A_123 : memref<4000xi32, #tpu.memory_space<hbm>>) dst(%arg11 : memref<4000xi32, #tpu.memory_space<vmem>>)
        %dma_start3A_124 = arith.constant 0 : i32
        %dma_start3A_125 = tpu.memref_slice %arg27[%dma_start3A_124] : memref<100096xf32, #tpu.memory_space<vmem_shared>> -> memref<100096xf32, #tpu.memory_space<vmem_shared>>
        tpu.enqueue_indirect_dma source(%dma_start3A_125 : memref<100096xf32, #tpu.memory_space<vmem_shared>>) target(%arg13 : memref<4000xf32, #tpu.memory_space<vmem>>) offsets(%arg9 : memref<4000xi32, #tpu.memory_space<vmem>>) semaphore(%arg31 : memref<!tpu.dma_semaphore, #tpu.memory_space<semaphore_mem>>)
        %dma_start3A_126 = arith.constant 0 : i32
        %dma_start3A_127 = tpu.memref_slice %arg28[%dma_start3A_126] : memref<100096xf32, #tpu.memory_space<vmem_shared>> -> memref<100096xf32, #tpu.memory_space<vmem_shared>>
        tpu.enqueue_indirect_dma source(%dma_start3A_127 : memref<100096xf32, #tpu.memory_space<vmem_shared>>) target(%arg15 : memref<4000xf32, #tpu.memory_space<vmem>>) offsets(%arg9 : memref<4000xi32, #tpu.memory_space<vmem>>) semaphore(%arg31 : memref<!tpu.dma_semaphore, #tpu.memory_space<semaphore_mem>>)
        %dma_start3A_128 = arith.constant 0 : i32
        %dma_start3A_129 = tpu.memref_slice %arg27[%dma_start3A_128] : memref<100096xf32, #tpu.memory_space<vmem_shared>> -> memref<100096xf32, #tpu.memory_space<vmem_shared>>
        tpu.enqueue_indirect_dma source(%dma_start3A_129 : memref<100096xf32, #tpu.memory_space<vmem_shared>>) target(%arg17 : memref<4000xf32, #tpu.memory_space<vmem>>) offsets(%arg11 : memref<4000xi32, #tpu.memory_space<vmem>>) semaphore(%arg31 : memref<!tpu.dma_semaphore, #tpu.memory_space<semaphore_mem>>)
        %dma_start3A_130 = arith.constant 0 : i32
        %dma_start3A_131 = tpu.memref_slice %arg28[%dma_start3A_130] : memref<100096xf32, #tpu.memory_space<vmem_shared>> -> memref<100096xf32, #tpu.memory_space<vmem_shared>>
        tpu.enqueue_indirect_dma source(%dma_start3A_131 : memref<100096xf32, #tpu.memory_space<vmem_shared>>) target(%arg19 : memref<4000xf32, #tpu.memory_space<vmem>>) offsets(%arg11 : memref<4000xi32, #tpu.memory_space<vmem>>) semaphore(%arg31 : memref<!tpu.dma_semaphore, #tpu.memory_space<semaphore_mem>>)
      } else {
      }
      %dma_wait3A_46 = arith.constant 0 : i32
      %dma_wait3A_47 = tpu.memref_slice %arg27[%dma_wait3A_46] : memref<100096xf32, #tpu.memory_space<vmem_shared>> -> memref<100096xf32, #tpu.memory_space<vmem_shared>>
      tpu.wait_indirect_dma semaphore(%arg31 : memref<!tpu.dma_semaphore, #tpu.memory_space<semaphore_mem>>) src(%dma_wait3A_47 : memref<100096xf32, #tpu.memory_space<vmem_shared>>) dst(%arg12 : memref<4000xf32, #tpu.memory_space<vmem>>)
      %dma_wait3A_48 = arith.constant 0 : i32
      %dma_wait3A_49 = tpu.memref_slice %arg28[%dma_wait3A_48] : memref<100096xf32, #tpu.memory_space<vmem_shared>> -> memref<100096xf32, #tpu.memory_space<vmem_shared>>
      tpu.wait_indirect_dma semaphore(%arg31 : memref<!tpu.dma_semaphore, #tpu.memory_space<semaphore_mem>>) src(%dma_wait3A_49 : memref<100096xf32, #tpu.memory_space<vmem_shared>>) dst(%arg14 : memref<4000xf32, #tpu.memory_space<vmem>>)
      %dma_wait3A_50 = arith.constant 0 : i32
      %dma_wait3A_51 = tpu.memref_slice %arg27[%dma_wait3A_50] : memref<100096xf32, #tpu.memory_space<vmem_shared>> -> memref<100096xf32, #tpu.memory_space<vmem_shared>>
      tpu.wait_indirect_dma semaphore(%arg31 : memref<!tpu.dma_semaphore, #tpu.memory_space<semaphore_mem>>) src(%dma_wait3A_51 : memref<100096xf32, #tpu.memory_space<vmem_shared>>) dst(%arg16 : memref<4000xf32, #tpu.memory_space<vmem>>)
      %dma_wait3A_52 = arith.constant 0 : i32
      %dma_wait3A_53 = tpu.memref_slice %arg28[%dma_wait3A_52] : memref<100096xf32, #tpu.memory_space<vmem_shared>> -> memref<100096xf32, #tpu.memory_space<vmem_shared>>
      tpu.wait_indirect_dma semaphore(%arg31 : memref<!tpu.dma_semaphore, #tpu.memory_space<semaphore_mem>>) src(%dma_wait3A_53 : memref<100096xf32, #tpu.memory_space<vmem_shared>>) dst(%arg18 : memref<4000xf32, #tpu.memory_space<vmem>>)
      %scan3A_54 = arith.constant 0 : i32
      %scan3A_55 = arith.constant 0 : i32
      %scan3A_56 = arith.constant 250 : i32
      %scan3A_57 = arith.addi %scan3A_55, %scan3A_56 : i32
      %scan3A_58 = arith.constant 1 : i32
      scf.for %scan3A_116 = %scan3A_55 to %scan3A_57 step %scan3A_58  : i32 {
        %mul3A_117 = arith.constant 16 : i32
        %mul3A_118 = arith.muli %scan3A_116, %mul3A_117 : i32
        %get3A = arith.index_cast %mul3A_118 : i32 to index
        %get3A_119 = tpu.vector_load %arg16[%get3A] {strides = array<i32>} : memref<4000xf32, #tpu.memory_space<vmem>>, vector<16xf32>,
        %get3A_120 = vector.shape_cast %get3A_119 : vector<16xf32> to vector<16xf32>
        %get3A_121 = arith.index_cast %mul3A_118 : i32 to index
        %get3A_122 = tpu.vector_load %arg12[%get3A_121] {strides = array<i32>} : memref<4000xf32, #tpu.memory_space<vmem>>, vector<16xf32>,
        %get3A_123 = vector.shape_cast %get3A_122 : vector<16xf32> to vector<16xf32>
        %sub3A = arith.subf %get3A_120, %get3A_123 : vector<16xf32>
        %get3A_124 = arith.index_cast %mul3A_118 : i32 to index
        %get3A_125 = tpu.vector_load %arg18[%get3A_124] {strides = array<i32>} : memref<4000xf32, #tpu.memory_space<vmem>>, vector<16xf32>,
        %get3A_126 = vector.shape_cast %get3A_125 : vector<16xf32> to vector<16xf32>
        %get3A_127 = arith.index_cast %mul3A_118 : i32 to index
        %get3A_128 = tpu.vector_load %arg14[%get3A_127] {strides = array<i32>} : memref<4000xf32, #tpu.memory_space<vmem>>, vector<16xf32>,
        %get3A_129 = vector.shape_cast %get3A_128 : vector<16xf32> to vector<16xf32>
        %sub3A_130 = arith.subf %get3A_126, %get3A_129 : vector<16xf32>
        %mul3A_131 = arith.mulf %sub3A, %sub3A : vector<16xf32>
        %mul3A_132 = arith.mulf %sub3A_130, %sub3A_130 : vector<16xf32>
        %add3A_133 = arith.addf %mul3A_131, %mul3A_132 : vector<16xf32>
        %max3A = arith.constant 1.000000e-30 : f32
        %max3A_134 = vector.broadcast %max3A : f32 to vector<16xf32>
        %max3A_135 = arith.maximumf %add3A_133, %max3A_134 : vector<16xf32>
        %bitcast_convert_type3A = tpu.bitcast %max3A_135 : vector<16xf32> -> vector<16xi32>
        %shift_right_arithmetic3A = arith.constant 1 : i32
        %shift_right_arithmetic3A_136 = vector.broadcast %shift_right_arithmetic3A : i32 to vector<16xi32>
        %shift_right_arithmetic3A_137 = arith.shrsi %bitcast_convert_type3A, %shift_right_arithmetic3A_136 : vector<16xi32>
        %sub3A_138 = arith.constant 1597463007 : i32
        %sub3A_139 = vector.broadcast %sub3A_138 : i32 to vector<16xi32>
        %sub3A_140 = arith.subi %sub3A_139, %shift_right_arithmetic3A_137 : vector<16xi32>
        %bitcast_convert_type3A_141 = tpu.bitcast %sub3A_140 : vector<16xi32> -> vector<16xf32>
        %mul3A_142 = arith.constant 5.000000e-01 : f32
        %mul3A_143 = vector.broadcast %mul3A_142 : f32 to vector<16xf32>
        %mul3A_144 = arith.mulf %mul3A_143, %max3A_135 : vector<16xf32>
        %mul3A_145 = arith.mulf %mul3A_144, %bitcast_convert_type3A_141 : vector<16xf32>
        %mul3A_146 = arith.mulf %mul3A_145, %bitcast_convert_type3A_141 : vector<16xf32>
        %sub3A_147 = arith.constant 1.500000e+00 : f32
        %sub3A_148 = vector.broadcast %sub3A_147 : f32 to vector<16xf32>
        %sub3A_149 = arith.subf %sub3A_148, %mul3A_146 : vector<16xf32>
        %mul3A_150 = arith.mulf %bitcast_convert_type3A_141, %sub3A_149 : vector<16xf32>
        %mul3A_151 = arith.constant 5.000000e-01 : f32
        %mul3A_152 = vector.broadcast %mul3A_151 : f32 to vector<16xf32>
        %mul3A_153 = arith.mulf %mul3A_152, %max3A_135 : vector<16xf32>
        %mul3A_154 = arith.mulf %mul3A_153, %mul3A_150 : vector<16xf32>
        %mul3A_155 = arith.mulf %mul3A_154, %mul3A_150 : vector<16xf32>
        %sub3A_156 = arith.constant 1.500000e+00 : f32
        %sub3A_157 = vector.broadcast %sub3A_156 : f32 to vector<16xf32>
        %sub3A_158 = arith.subf %sub3A_157, %mul3A_155 : vector<16xf32>
        %mul3A_159 = arith.mulf %mul3A_150, %sub3A_158 : vector<16xf32>
        %mul3A_160 = arith.constant 5.000000e-01 : f32
        %mul3A_161 = vector.broadcast %mul3A_160 : f32 to vector<16xf32>
        %mul3A_162 = arith.mulf %mul3A_161, %max3A_135 : vector<16xf32>
        %mul3A_163 = arith.mulf %mul3A_162, %mul3A_159 : vector<16xf32>
        %mul3A_164 = arith.mulf %mul3A_163, %mul3A_159 : vector<16xf32>
        %sub3A_165 = arith.constant 1.500000e+00 : f32
        %sub3A_166 = vector.broadcast %sub3A_165 : f32 to vector<16xf32>
        %sub3A_167 = arith.subf %sub3A_166, %mul3A_164 : vector<16xf32>
        %mul3A_168 = arith.mulf %mul3A_159, %sub3A_167 : vector<16xf32>
        %mul3A_169 = arith.mulf %add3A_133, %mul3A_168 : vector<16xf32>
        %max3A_170 = arith.constant 9.99999996E-13 : f32
        %max3A_171 = vector.broadcast %max3A_170 : f32 to vector<16xf32>
        %max3A_172 = arith.maximumf %mul3A_169, %max3A_171 : vector<16xf32>
        %div3A = arith.constant 1.000000e+00 : f32
        %div3A_173 = vector.broadcast %div3A : f32 to vector<16xf32>
        %div3A_174 = arith.divf %div3A_173, %max3A_172 : vector<16xf32>
        %min3A = arith.constant 1.000000e+01 : f32
        %min3A_175 = vector.broadcast %min3A : f32 to vector<16xf32>
        %min3A_176 = arith.minimumf %mul3A_168, %min3A_175 : vector<16xf32>
        %mul3A_177 = arith.mulf %min3A_176, %min3A_176 : vector<16xf32>
        %mul3A_178 = arith.mulf %mul3A_177, %mul3A_177 : vector<16xf32>
        %mul3A_179 = arith.mulf %mul3A_178, %mul3A_177 : vector<16xf32>
        %mul3A_180 = arith.constant 4.000000e+00 : f32
        %mul3A_181 = vector.broadcast %mul3A_180 : f32 to vector<16xf32>
        %mul3A_182 = arith.mulf %mul3A_181, %mul3A_179 : vector<16xf32>
        %mul3A_183 = arith.constant 1.200000e+01 : f32
        %mul3A_184 = vector.broadcast %mul3A_183 : f32 to vector<16xf32>
        %mul3A_185 = arith.mulf %mul3A_184, %mul3A_179 : vector<16xf32>
        %sub3A_186 = arith.constant 6.000000e+00 : f32
        %sub3A_187 = vector.broadcast %sub3A_186 : f32 to vector<16xf32>
        %sub3A_188 = arith.subf %mul3A_185, %sub3A_187 : vector<16xf32>
        %mul3A_189 = arith.mulf %mul3A_182, %sub3A_188 : vector<16xf32>
        %mul3A_190 = arith.mulf %mul3A_189, %min3A_176 : vector<16xf32>
        %mul3A_191 = arith.mulf %mul3A_190, %div3A_174 : vector<16xf32>
        %mul3A_192 = arith.mulf %mul3A_191, %sub3A : vector<16xf32>
        %swap3A = arith.index_cast %mul3A_118 : i32 to index
        %swap3A_193 = tpu.vector_load %arg20[%swap3A] {strides = array<i32>} : memref<4000xf32, #tpu.memory_space<vmem>>, vector<16xf32>,
        %swap3A_194 = vector.shape_cast %swap3A_193 : vector<16xf32> to vector<16xf32>
        %swap3A_195 = vector.shape_cast %mul3A_192 : vector<16xf32> to vector<16xf32>
        tpu.vector_store %arg20[%swap3A], %swap3A_195 {strides = array<i32>} : memref<4000xf32, #tpu.memory_space<vmem>>, vector<16xf32>,
        %mul3A_196 = arith.mulf %mul3A_191, %sub3A_130 : vector<16xf32>
        %swap3A_197 = arith.index_cast %mul3A_118 : i32 to index
        %swap3A_198 = tpu.vector_load %arg22[%swap3A_197] {strides = array<i32>} : memref<4000xf32, #tpu.memory_space<vmem>>, vector<16xf32>,
        %swap3A_199 = vector.shape_cast %swap3A_198 : vector<16xf32> to vector<16xf32>
        %swap3A_200 = vector.shape_cast %mul3A_196 : vector<16xf32> to vector<16xf32>
        tpu.vector_store %arg22[%swap3A_197], %swap3A_200 {strides = array<i32>} : memref<4000xf32, #tpu.memory_space<vmem>>, vector<16xf32>,
        %get3A_201 = arith.index_cast %mul3A_118 : i32 to index
        %get3A_202 = tpu.vector_load %arg10[%get3A_201] {strides = array<i32>} : memref<4000xi32, #tpu.memory_space<vmem>>, vector<16xi32>,
        %get3A_203 = vector.shape_cast %get3A_202 : vector<16xi32> to vector<16xi32>
        %swap3A_204 = arith.index_cast %mul3A_118 : i32 to index
        %swap3A_205 = tpu.vector_load %arg24[%swap3A_204] {strides = array<i32>} : memref<4000xi32, #tpu.memory_space<vmem>>, vector<16xi32>,
        %swap3A_206 = vector.shape_cast %swap3A_205 : vector<16xi32> to vector<16xi32>
        %swap3A_207 = vector.shape_cast %get3A_203 : vector<16xi32> to vector<16xi32>
        tpu.vector_store %arg24[%swap3A_204], %swap3A_207 {strides = array<i32>} : memref<4000xi32, #tpu.memory_space<vmem>>, vector<16xi32>,
      }
      %scan3A_59 = arith.constant 250 : i32
      %gt3A = arith.constant 0 : i32
      %gt3A_60 = arith.cmpi sgt, %mul3A_41, %gt3A : i32
      %convert_element_type3A_61 = arith.extui %gt3A_60 : i1 to i32
      %cond3A_62 = arith.constant 0 : i32
      %cond3A_63 = arith.cmpi ne, %convert_element_type3A_61, %cond3A_62 : i32
      scf.if %cond3A_63 {
        %dma_wait3A_116 = arith.constant 0 : i32
        %dma_wait3A_117 = tpu.memref_slice %arg29[%dma_wait3A_116] : memref<100096xf32, #tpu.memory_space<vmem_shared>> -> memref<100096xf32, #tpu.memory_space<vmem_shared>>
        tpu.wait_indirect_dma semaphore(%arg33 : memref<!tpu.dma_semaphore, #tpu.memory_space<semaphore_mem>>) src(%arg21 : memref<4000xf32, #tpu.memory_space<vmem>>) dst(%dma_wait3A_117 : memref<100096xf32, #tpu.memory_space<vmem_shared>>)
        %dma_wait3A_118 = arith.constant 0 : i32
        %dma_wait3A_119 = tpu.memref_slice %arg30[%dma_wait3A_118] : memref<100096xf32, #tpu.memory_space<vmem_shared>> -> memref<100096xf32, #tpu.memory_space<vmem_shared>>
        tpu.wait_indirect_dma semaphore(%arg33 : memref<!tpu.dma_semaphore, #tpu.memory_space<semaphore_mem>>) src(%arg23 : memref<4000xf32, #tpu.memory_space<vmem>>) dst(%dma_wait3A_119 : memref<100096xf32, #tpu.memory_space<vmem_shared>>)
      } else {
      }
      %dma_start3A_64 = arith.constant 0 : i32
      %dma_start3A_65 = tpu.memref_slice %arg29[%dma_start3A_64] : memref<100096xf32, #tpu.memory_space<vmem_shared>> -> memref<100096xf32, #tpu.memory_space<vmem_shared>>
      tpu.enqueue_indirect_dma source(%arg20 : memref<4000xf32, #tpu.memory_space<vmem>>) target(%dma_start3A_65 : memref<100096xf32, #tpu.memory_space<vmem_shared>>) offsets(%arg24 : memref<4000xi32, #tpu.memory_space<vmem>>) semaphore(%arg33 : memref<!tpu.dma_semaphore, #tpu.memory_space<semaphore_mem>>) {add = true}
      %dma_start3A_66 = arith.constant 0 : i32
      %dma_start3A_67 = tpu.memref_slice %arg30[%dma_start3A_66] : memref<100096xf32, #tpu.memory_space<vmem_shared>> -> memref<100096xf32, #tpu.memory_space<vmem_shared>>
      tpu.enqueue_indirect_dma source(%arg22 : memref<4000xf32, #tpu.memory_space<vmem>>) target(%dma_start3A_67 : memref<100096xf32, #tpu.memory_space<vmem_shared>>) offsets(%arg24 : memref<4000xi32, #tpu.memory_space<vmem>>) semaphore(%arg33 : memref<!tpu.dma_semaphore, #tpu.memory_space<semaphore_mem>>) {add = true}
      %add3A_68 = arith.constant 2 : i32
      %add3A_69 = arith.addi %mul3A_41, %add3A_68 : i32
      %lt3A_70 = arith.constant 50 : i32
      %lt3A_71 = arith.cmpi slt, %add3A_69, %lt3A_70 : i32
      %convert_element_type3A_72 = arith.extui %lt3A_71 : i1 to i32
      %cond3A_73 = arith.constant 0 : i32
      %cond3A_74 = arith.cmpi ne, %convert_element_type3A_72, %cond3A_73 : i32
      scf.if %cond3A_74 {
        %add3A_116 = arith.constant 2 : i32
        %add3A_117 = arith.addi %mul3A_41, %add3A_116 : i32
        %mul3A_118 = arith.constant 4000 : i32
        %mul3A_119 = arith.muli %add3A_117, %mul3A_118 : i32
        %add3A_120 = arith.addi %mul3A_9, %mul3A_119 : i32
        %multiple_of3A_121 = tpu.assume_multiple %add3A_120, 8 : i32
        %dma_start3A_122 = tpu.memref_slice %arg4[%multiple_of3A_121] : memref<6400000xi32, #tpu.memory_space<hbm>> -> memref<4000xi32, #tpu.memory_space<hbm>>
        %dma_start3A_123 = tpu.memref_slice %arg4[%multiple_of3A_121] : memref<6400000xi32, #tpu.memory_space<hbm>> -> memref<4000xi32, #tpu.memory_space<hbm>>
        tpu.enqueue_dma source(%dma_start3A_123 : memref<4000xi32, #tpu.memory_space<hbm>>) target(%arg8 : memref<4000xi32, #tpu.memory_space<vmem>>) target_semaphore(%arg32 : memref<!tpu.dma_semaphore, #tpu.memory_space<semaphore_mem>>)
        %dma_start3A_124 = tpu.memref_slice %arg5[%multiple_of3A_121] : memref<6400000xi32, #tpu.memory_space<hbm>> -> memref<4000xi32, #tpu.memory_space<hbm>>
        %dma_start3A_125 = tpu.memref_slice %arg5[%multiple_of3A_121] : memref<6400000xi32, #tpu.memory_space<hbm>> -> memref<4000xi32, #tpu.memory_space<hbm>>
        tpu.enqueue_dma source(%dma_start3A_125 : memref<4000xi32, #tpu.memory_space<hbm>>) target(%arg10 : memref<4000xi32, #tpu.memory_space<vmem>>) target_semaphore(%arg32 : memref<!tpu.dma_semaphore, #tpu.memory_space<semaphore_mem>>)
      } else {
      }
      %mul3A_75 = arith.constant 2 : i32
      %mul3A_76 = arith.muli %scan3A_39, %mul3A_75 : i32
      %add3A_77 = arith.constant 1 : i32
      %add3A_78 = arith.addi %mul3A_76, %add3A_77 : i32
      %add3A_79 = arith.constant 1 : i32
      %add3A_80 = arith.addi %add3A_78, %add3A_79 : i32
      %lt3A_81 = arith.constant 50 : i32
      %lt3A_82 = arith.cmpi slt, %add3A_80, %lt3A_81 : i32
      %convert_element_type3A_83 = arith.extui %lt3A_82 : i1 to i32
      %cond3A_84 = arith.constant 0 : i32
      %cond3A_85 = arith.cmpi ne, %convert_element_type3A_83, %cond3A_84 : i32
      scf.if %cond3A_85 {
        %dma_wait3A_116 = arith.constant 0 : i32
        %dma_wait3A_117 = tpu.memref_slice %arg4[%dma_wait3A_116] : memref<6400000xi32, #tpu.memory_space<hbm>> -> memref<4000xi32, #tpu.memory_space<hbm>>
        %dma_wait3A_118 = arith.constant 0 : i32
        %dma_wait3A_119 = tpu.memref_slice %arg4[%dma_wait3A_118] : memref<6400000xi32, #tpu.memory_space<hbm>> -> memref<4000xi32, #tpu.memory_space<hbm>>
        tpu.wait_dma2 semaphore(%arg32 : memref<!tpu.dma_semaphore, #tpu.memory_space<semaphore_mem>>) src(%dma_wait3A_119 : memref<4000xi32, #tpu.memory_space<hbm>>) dst(%arg8 : memref<4000xi32, #tpu.memory_space<vmem>>)
        %dma_wait3A_120 = arith.constant 0 : i32
        %dma_wait3A_121 = tpu.memref_slice %arg5[%dma_wait3A_120] : memref<6400000xi32, #tpu.memory_space<hbm>> -> memref<4000xi32, #tpu.memory_space<hbm>>
        %dma_wait3A_122 = arith.constant 0 : i32
        %dma_wait3A_123 = tpu.memref_slice %arg5[%dma_wait3A_122] : memref<6400000xi32, #tpu.memory_space<hbm>> -> memref<4000xi32, #tpu.memory_space<hbm>>
        tpu.wait_dma2 semaphore(%arg32 : memref<!tpu.dma_semaphore, #tpu.memory_space<semaphore_mem>>) src(%dma_wait3A_123 : memref<4000xi32, #tpu.memory_space<hbm>>) dst(%arg10 : memref<4000xi32, #tpu.memory_space<vmem>>)
        %dma_start3A_124 = arith.constant 0 : i32
        %dma_start3A_125 = tpu.memref_slice %arg27[%dma_start3A_124] : memref<100096xf32, #tpu.memory_space<vmem_shared>> -> memref<100096xf32, #tpu.memory_space<vmem_shared>>
        tpu.enqueue_indirect_dma source(%dma_start3A_125 : memref<100096xf32, #tpu.memory_space<vmem_shared>>) target(%arg12 : memref<4000xf32, #tpu.memory_space<vmem>>) offsets(%arg8 : memref<4000xi32, #tpu.memory_space<vmem>>) semaphore(%arg31 : memref<!tpu.dma_semaphore, #tpu.memory_space<semaphore_mem>>)
        %dma_start3A_126 = arith.constant 0 : i32
        %dma_start3A_127 = tpu.memref_slice %arg28[%dma_start3A_126] : memref<100096xf32, #tpu.memory_space<vmem_shared>> -> memref<100096xf32, #tpu.memory_space<vmem_shared>>
        tpu.enqueue_indirect_dma source(%dma_start3A_127 : memref<100096xf32, #tpu.memory_space<vmem_shared>>) target(%arg14 : memref<4000xf32, #tpu.memory_space<vmem>>) offsets(%arg8 : memref<4000xi32, #tpu.memory_space<vmem>>) semaphore(%arg31 : memref<!tpu.dma_semaphore, #tpu.memory_space<semaphore_mem>>)
        %dma_start3A_128 = arith.constant 0 : i32
        %dma_start3A_129 = tpu.memref_slice %arg27[%dma_start3A_128] : memref<100096xf32, #tpu.memory_space<vmem_shared>> -> memref<100096xf32, #tpu.memory_space<vmem_shared>>
        tpu.enqueue_indirect_dma source(%dma_start3A_129 : memref<100096xf32, #tpu.memory_space<vmem_shared>>) target(%arg16 : memref<4000xf32, #tpu.memory_space<vmem>>) offsets(%arg10 : memref<4000xi32, #tpu.memory_space<vmem>>) semaphore(%arg31 : memref<!tpu.dma_semaphore, #tpu.memory_space<semaphore_mem>>)
        %dma_start3A_130 = arith.constant 0 : i32
        %dma_start3A_131 = tpu.memref_slice %arg28[%dma_start3A_130] : memref<100096xf32, #tpu.memory_space<vmem_shared>> -> memref<100096xf32, #tpu.memory_space<vmem_shared>>
        tpu.enqueue_indirect_dma source(%dma_start3A_131 : memref<100096xf32, #tpu.memory_space<vmem_shared>>) target(%arg18 : memref<4000xf32, #tpu.memory_space<vmem>>) offsets(%arg10 : memref<4000xi32, #tpu.memory_space<vmem>>) semaphore(%arg31 : memref<!tpu.dma_semaphore, #tpu.memory_space<semaphore_mem>>)
      } else {
      }
      %dma_wait3A_86 = arith.constant 0 : i32
      %dma_wait3A_87 = tpu.memref_slice %arg27[%dma_wait3A_86] : memref<100096xf32, #tpu.memory_space<vmem_shared>> -> memref<100096xf32, #tpu.memory_space<vmem_shared>>
      tpu.wait_indirect_dma semaphore(%arg31 : memref<!tpu.dma_semaphore, #tpu.memory_space<semaphore_mem>>) src(%dma_wait3A_87 : memref<100096xf32, #tpu.memory_space<vmem_shared>>) dst(%arg13 : memref<4000xf32, #tpu.memory_space<vmem>>)
      %dma_wait3A_88 = arith.constant 0 : i32
      %dma_wait3A_89 = tpu.memref_slice %arg28[%dma_wait3A_88] : memref<100096xf32, #tpu.memory_space<vmem_shared>> -> memref<100096xf32, #tpu.memory_space<vmem_shared>>
      tpu.wait_indirect_dma semaphore(%arg31 : memref<!tpu.dma_semaphore, #tpu.memory_space<semaphore_mem>>) src(%dma_wait3A_89 : memref<100096xf32, #tpu.memory_space<vmem_shared>>) dst(%arg15 : memref<4000xf32, #tpu.memory_space<vmem>>)
      %dma_wait3A_90 = arith.constant 0 : i32
      %dma_wait3A_91 = tpu.memref_slice %arg27[%dma_wait3A_90] : memref<100096xf32, #tpu.memory_space<vmem_shared>> -> memref<100096xf32, #tpu.memory_space<vmem_shared>>
      tpu.wait_indirect_dma semaphore(%arg31 : memref<!tpu.dma_semaphore, #tpu.memory_space<semaphore_mem>>) src(%dma_wait3A_91 : memref<100096xf32, #tpu.memory_space<vmem_shared>>) dst(%arg17 : memref<4000xf32, #tpu.memory_space<vmem>>)
      %dma_wait3A_92 = arith.constant 0 : i32
      %dma_wait3A_93 = tpu.memref_slice %arg28[%dma_wait3A_92] : memref<100096xf32, #tpu.memory_space<vmem_shared>> -> memref<100096xf32, #tpu.memory_space<vmem_shared>>
      tpu.wait_indirect_dma semaphore(%arg31 : memref<!tpu.dma_semaphore, #tpu.memory_space<semaphore_mem>>) src(%dma_wait3A_93 : memref<100096xf32, #tpu.memory_space<vmem_shared>>) dst(%arg19 : memref<4000xf32, #tpu.memory_space<vmem>>)
      %scan3A_94 = arith.constant 0 : i32
      %scan3A_95 = arith.constant 0 : i32
      %scan3A_96 = arith.constant 250 : i32
      %scan3A_97 = arith.addi %scan3A_95, %scan3A_96 : i32
      %scan3A_98 = arith.constant 1 : i32
      scf.for %scan3A_116 = %scan3A_95 to %scan3A_97 step %scan3A_98  : i32 {
        %mul3A_117 = arith.constant 16 : i32
        %mul3A_118 = arith.muli %scan3A_116, %mul3A_117 : i32
        %get3A = arith.index_cast %mul3A_118 : i32 to index
        %get3A_119 = tpu.vector_load %arg17[%get3A] {strides = array<i32>} : memref<4000xf32, #tpu.memory_space<vmem>>, vector<16xf32>,
        %get3A_120 = vector.shape_cast %get3A_119 : vector<16xf32> to vector<16xf32>
        %get3A_121 = arith.index_cast %mul3A_118 : i32 to index
        %get3A_122 = tpu.vector_load %arg13[%get3A_121] {strides = array<i32>} : memref<4000xf32, #tpu.memory_space<vmem>>, vector<16xf32>,
        %get3A_123 = vector.shape_cast %get3A_122 : vector<16xf32> to vector<16xf32>
        %sub3A = arith.subf %get3A_120, %get3A_123 : vector<16xf32>
        %get3A_124 = arith.index_cast %mul3A_118 : i32 to index
        %get3A_125 = tpu.vector_load %arg19[%get3A_124] {strides = array<i32>} : memref<4000xf32, #tpu.memory_space<vmem>>, vector<16xf32>,
        %get3A_126 = vector.shape_cast %get3A_125 : vector<16xf32> to vector<16xf32>
        %get3A_127 = arith.index_cast %mul3A_118 : i32 to index
        %get3A_128 = tpu.vector_load %arg15[%get3A_127] {strides = array<i32>} : memref<4000xf32, #tpu.memory_space<vmem>>, vector<16xf32>,
        %get3A_129 = vector.shape_cast %get3A_128 : vector<16xf32> to vector<16xf32>
        %sub3A_130 = arith.subf %get3A_126, %get3A_129 : vector<16xf32>
        %mul3A_131 = arith.mulf %sub3A, %sub3A : vector<16xf32>
        %mul3A_132 = arith.mulf %sub3A_130, %sub3A_130 : vector<16xf32>
        %add3A_133 = arith.addf %mul3A_131, %mul3A_132 : vector<16xf32>
        %max3A = arith.constant 1.000000e-30 : f32
        %max3A_134 = vector.broadcast %max3A : f32 to vector<16xf32>
        %max3A_135 = arith.maximumf %add3A_133, %max3A_134 : vector<16xf32>
        %bitcast_convert_type3A = tpu.bitcast %max3A_135 : vector<16xf32> -> vector<16xi32>
        %shift_right_arithmetic3A = arith.constant 1 : i32
        %shift_right_arithmetic3A_136 = vector.broadcast %shift_right_arithmetic3A : i32 to vector<16xi32>
        %shift_right_arithmetic3A_137 = arith.shrsi %bitcast_convert_type3A, %shift_right_arithmetic3A_136 : vector<16xi32>
        %sub3A_138 = arith.constant 1597463007 : i32
        %sub3A_139 = vector.broadcast %sub3A_138 : i32 to vector<16xi32>
        %sub3A_140 = arith.subi %sub3A_139, %shift_right_arithmetic3A_137 : vector<16xi32>
        %bitcast_convert_type3A_141 = tpu.bitcast %sub3A_140 : vector<16xi32> -> vector<16xf32>
        %mul3A_142 = arith.constant 5.000000e-01 : f32
        %mul3A_143 = vector.broadcast %mul3A_142 : f32 to vector<16xf32>
        %mul3A_144 = arith.mulf %mul3A_143, %max3A_135 : vector<16xf32>
        %mul3A_145 = arith.mulf %mul3A_144, %bitcast_convert_type3A_141 : vector<16xf32>
        %mul3A_146 = arith.mulf %mul3A_145, %bitcast_convert_type3A_141 : vector<16xf32>
        %sub3A_147 = arith.constant 1.500000e+00 : f32
        %sub3A_148 = vector.broadcast %sub3A_147 : f32 to vector<16xf32>
        %sub3A_149 = arith.subf %sub3A_148, %mul3A_146 : vector<16xf32>
        %mul3A_150 = arith.mulf %bitcast_convert_type3A_141, %sub3A_149 : vector<16xf32>
        %mul3A_151 = arith.constant 5.000000e-01 : f32
        %mul3A_152 = vector.broadcast %mul3A_151 : f32 to vector<16xf32>
        %mul3A_153 = arith.mulf %mul3A_152, %max3A_135 : vector<16xf32>
        %mul3A_154 = arith.mulf %mul3A_153, %mul3A_150 : vector<16xf32>
        %mul3A_155 = arith.mulf %mul3A_154, %mul3A_150 : vector<16xf32>
        %sub3A_156 = arith.constant 1.500000e+00 : f32
        %sub3A_157 = vector.broadcast %sub3A_156 : f32 to vector<16xf32>
        %sub3A_158 = arith.subf %sub3A_157, %mul3A_155 : vector<16xf32>
        %mul3A_159 = arith.mulf %mul3A_150, %sub3A_158 : vector<16xf32>
        %mul3A_160 = arith.constant 5.000000e-01 : f32
        %mul3A_161 = vector.broadcast %mul3A_160 : f32 to vector<16xf32>
        %mul3A_162 = arith.mulf %mul3A_161, %max3A_135 : vector<16xf32>
        %mul3A_163 = arith.mulf %mul3A_162, %mul3A_159 : vector<16xf32>
        %mul3A_164 = arith.mulf %mul3A_163, %mul3A_159 : vector<16xf32>
        %sub3A_165 = arith.constant 1.500000e+00 : f32
        %sub3A_166 = vector.broadcast %sub3A_165 : f32 to vector<16xf32>
        %sub3A_167 = arith.subf %sub3A_166, %mul3A_164 : vector<16xf32>
        %mul3A_168 = arith.mulf %mul3A_159, %sub3A_167 : vector<16xf32>
        %mul3A_169 = arith.mulf %add3A_133, %mul3A_168 : vector<16xf32>
        %max3A_170 = arith.constant 9.99999996E-13 : f32
        %max3A_171 = vector.broadcast %max3A_170 : f32 to vector<16xf32>
        %max3A_172 = arith.maximumf %mul3A_169, %max3A_171 : vector<16xf32>
        %div3A = arith.constant 1.000000e+00 : f32
        %div3A_173 = vector.broadcast %div3A : f32 to vector<16xf32>
        %div3A_174 = arith.divf %div3A_173, %max3A_172 : vector<16xf32>
        %min3A = arith.constant 1.000000e+01 : f32
        %min3A_175 = vector.broadcast %min3A : f32 to vector<16xf32>
        %min3A_176 = arith.minimumf %mul3A_168, %min3A_175 : vector<16xf32>
        %mul3A_177 = arith.mulf %min3A_176, %min3A_176 : vector<16xf32>
        %mul3A_178 = arith.mulf %mul3A_177, %mul3A_177 : vector<16xf32>
        %mul3A_179 = arith.mulf %mul3A_178, %mul3A_177 : vector<16xf32>
        %mul3A_180 = arith.constant 4.000000e+00 : f32
        %mul3A_181 = vector.broadcast %mul3A_180 : f32 to vector<16xf32>
        %mul3A_182 = arith.mulf %mul3A_181, %mul3A_179 : vector<16xf32>
        %mul3A_183 = arith.constant 1.200000e+01 : f32
        %mul3A_184 = vector.broadcast %mul3A_183 : f32 to vector<16xf32>
        %mul3A_185 = arith.mulf %mul3A_184, %mul3A_179 : vector<16xf32>
        %sub3A_186 = arith.constant 6.000000e+00 : f32
        %sub3A_187 = vector.broadcast %sub3A_186 : f32 to vector<16xf32>
        %sub3A_188 = arith.subf %mul3A_185, %sub3A_187 : vector<16xf32>
        %mul3A_189 = arith.mulf %mul3A_182, %sub3A_188 : vector<16xf32>
        %mul3A_190 = arith.mulf %mul3A_189, %min3A_176 : vector<16xf32>
        %mul3A_191 = arith.mulf %mul3A_190, %div3A_174 : vector<16xf32>
        %mul3A_192 = arith.mulf %mul3A_191, %sub3A : vector<16xf32>
        %swap3A = arith.index_cast %mul3A_118 : i32 to index
        %swap3A_193 = tpu.vector_load %arg21[%swap3A] {strides = array<i32>} : memref<4000xf32, #tpu.memory_space<vmem>>, vector<16xf32>,
        %swap3A_194 = vector.shape_cast %swap3A_193 : vector<16xf32> to vector<16xf32>
        %swap3A_195 = vector.shape_cast %mul3A_192 : vector<16xf32> to vector<16xf32>
        tpu.vector_store %arg21[%swap3A], %swap3A_195 {strides = array<i32>} : memref<4000xf32, #tpu.memory_space<vmem>>, vector<16xf32>,
        %mul3A_196 = arith.mulf %mul3A_191, %sub3A_130 : vector<16xf32>
        %swap3A_197 = arith.index_cast %mul3A_118 : i32 to index
        %swap3A_198 = tpu.vector_load %arg23[%swap3A_197] {strides = array<i32>} : memref<4000xf32, #tpu.memory_space<vmem>>, vector<16xf32>,
        %swap3A_199 = vector.shape_cast %swap3A_198 : vector<16xf32> to vector<16xf32>
        %swap3A_200 = vector.shape_cast %mul3A_196 : vector<16xf32> to vector<16xf32>
        tpu.vector_store %arg23[%swap3A_197], %swap3A_200 {strides = array<i32>} : memref<4000xf32, #tpu.memory_space<vmem>>, vector<16xf32>,
        %get3A_201 = arith.index_cast %mul3A_118 : i32 to index
        %get3A_202 = tpu.vector_load %arg11[%get3A_201] {strides = array<i32>} : memref<4000xi32, #tpu.memory_space<vmem>>, vector<16xi32>,
        %get3A_203 = vector.shape_cast %get3A_202 : vector<16xi32> to vector<16xi32>
        %swap3A_204 = arith.index_cast %mul3A_118 : i32 to index
        %swap3A_205 = tpu.vector_load %arg25[%swap3A_204] {strides = array<i32>} : memref<4000xi32, #tpu.memory_space<vmem>>, vector<16xi32>,
        %swap3A_206 = vector.shape_cast %swap3A_205 : vector<16xi32> to vector<16xi32>
        %swap3A_207 = vector.shape_cast %get3A_203 : vector<16xi32> to vector<16xi32>
        tpu.vector_store %arg25[%swap3A_204], %swap3A_207 {strides = array<i32>} : memref<4000xi32, #tpu.memory_space<vmem>>, vector<16xi32>,
      }
      %scan3A_99 = arith.constant 250 : i32
      %gt3A_100 = arith.constant 0 : i32
      %gt3A_101 = arith.cmpi sgt, %add3A_78, %gt3A_100 : i32
      %convert_element_type3A_102 = arith.extui %gt3A_101 : i1 to i32
      %cond3A_103 = arith.constant 0 : i32
      %cond3A_104 = arith.cmpi ne, %convert_element_type3A_102, %cond3A_103 : i32
      scf.if %cond3A_104 {
        %dma_wait3A_116 = arith.constant 0 : i32
        %dma_wait3A_117 = tpu.memref_slice %arg29[%dma_wait3A_116] : memref<100096xf32, #tpu.memory_space<vmem_shared>> -> memref<100096xf32, #tpu.memory_space<vmem_shared>>
        tpu.wait_indirect_dma semaphore(%arg33 : memref<!tpu.dma_semaphore, #tpu.memory_space<semaphore_mem>>) src(%arg20 : memref<4000xf32, #tpu.memory_space<vmem>>) dst(%dma_wait3A_117 : memref<100096xf32, #tpu.memory_space<vmem_shared>>)
        %dma_wait3A_118 = arith.constant 0 : i32
        %dma_wait3A_119 = tpu.memref_slice %arg30[%dma_wait3A_118] : memref<100096xf32, #tpu.memory_space<vmem_shared>> -> memref<100096xf32, #tpu.memory_space<vmem_shared>>
        tpu.wait_indirect_dma semaphore(%arg33 : memref<!tpu.dma_semaphore, #tpu.memory_space<semaphore_mem>>) src(%arg22 : memref<4000xf32, #tpu.memory_space<vmem>>) dst(%dma_wait3A_119 : memref<100096xf32, #tpu.memory_space<vmem_shared>>)
      } else {
      }
      %dma_start3A_105 = arith.constant 0 : i32
      %dma_start3A_106 = tpu.memref_slice %arg29[%dma_start3A_105] : memref<100096xf32, #tpu.memory_space<vmem_shared>> -> memref<100096xf32, #tpu.memory_space<vmem_shared>>
      tpu.enqueue_indirect_dma source(%arg21 : memref<4000xf32, #tpu.memory_space<vmem>>) target(%dma_start3A_106 : memref<100096xf32, #tpu.memory_space<vmem_shared>>) offsets(%arg25 : memref<4000xi32, #tpu.memory_space<vmem>>) semaphore(%arg33 : memref<!tpu.dma_semaphore, #tpu.memory_space<semaphore_mem>>) {add = true}
      %dma_start3A_107 = arith.constant 0 : i32
      %dma_start3A_108 = tpu.memref_slice %arg30[%dma_start3A_107] : memref<100096xf32, #tpu.memory_space<vmem_shared>> -> memref<100096xf32, #tpu.memory_space<vmem_shared>>
      tpu.enqueue_indirect_dma source(%arg23 : memref<4000xf32, #tpu.memory_space<vmem>>) target(%dma_start3A_108 : memref<100096xf32, #tpu.memory_space<vmem_shared>>) offsets(%arg25 : memref<4000xi32, #tpu.memory_space<vmem>>) semaphore(%arg33 : memref<!tpu.dma_semaphore, #tpu.memory_space<semaphore_mem>>) {add = true}
      %add3A_109 = arith.constant 2 : i32
      %add3A_110 = arith.addi %add3A_78, %add3A_109 : i32
      %lt3A_111 = arith.constant 50 : i32
      %lt3A_112 = arith.cmpi slt, %add3A_110, %lt3A_111 : i32
      %convert_element_type3A_113 = arith.extui %lt3A_112 : i1 to i32
      %cond3A_114 = arith.constant 0 : i32
      %cond3A_115 = arith.cmpi ne, %convert_element_type3A_113, %cond3A_114 : i32
      scf.if %cond3A_115 {
        %add3A_116 = arith.constant 2 : i32
        %add3A_117 = arith.addi %add3A_78, %add3A_116 : i32
        %mul3A_118 = arith.constant 4000 : i32
        %mul3A_119 = arith.muli %add3A_117, %mul3A_118 : i32
        %add3A_120 = arith.addi %mul3A_9, %mul3A_119 : i32
        %multiple_of3A_121 = tpu.assume_multiple %add3A_120, 8 : i32
        %dma_start3A_122 = tpu.memref_slice %arg4[%multiple_of3A_121] : memref<6400000xi32, #tpu.memory_space<hbm>> -> memref<4000xi32, #tpu.memory_space<hbm>>
        %dma_start3A_123 = tpu.memref_slice %arg4[%multiple_of3A_121] : memref<6400000xi32, #tpu.memory_space<hbm>> -> memref<4000xi32, #tpu.memory_space<hbm>>
        tpu.enqueue_dma source(%dma_start3A_123 : memref<4000xi32, #tpu.memory_space<hbm>>) target(%arg9 : memref<4000xi32, #tpu.memory_space<vmem>>) target_semaphore(%arg32 : memref<!tpu.dma_semaphore, #tpu.memory_space<semaphore_mem>>)
        %dma_start3A_124 = tpu.memref_slice %arg5[%multiple_of3A_121] : memref<6400000xi32, #tpu.memory_space<hbm>> -> memref<4000xi32, #tpu.memory_space<hbm>>
        %dma_start3A_125 = tpu.memref_slice %arg5[%multiple_of3A_121] : memref<6400000xi32, #tpu.memory_space<hbm>> -> memref<4000xi32, #tpu.memory_space<hbm>>
        tpu.enqueue_dma source(%dma_start3A_125 : memref<4000xi32, #tpu.memory_space<hbm>>) target(%arg11 : memref<4000xi32, #tpu.memory_space<vmem>>) target_semaphore(%arg32 : memref<!tpu.dma_semaphore, #tpu.memory_space<semaphore_mem>>)
      } else {
      }
    }
    %scan3A_30 = arith.constant 25 : i32
    %dma_wait3A = arith.constant 0 : i32
    %dma_wait3A_31 = tpu.memref_slice %arg29[%dma_wait3A] : memref<100096xf32, #tpu.memory_space<vmem_shared>> -> memref<100096xf32, #tpu.memory_space<vmem_shared>>
    tpu.wait_indirect_dma semaphore(%arg33 : memref<!tpu.dma_semaphore, #tpu.memory_space<semaphore_mem>>) src(%arg21 : memref<4000xf32, #tpu.memory_space<vmem>>) dst(%dma_wait3A_31 : memref<100096xf32, #tpu.memory_space<vmem_shared>>)
    %dma_wait3A_32 = arith.constant 0 : i32
    %dma_wait3A_33 = tpu.memref_slice %arg30[%dma_wait3A_32] : memref<100096xf32, #tpu.memory_space<vmem_shared>> -> memref<100096xf32, #tpu.memory_space<vmem_shared>>
    tpu.wait_indirect_dma semaphore(%arg33 : memref<!tpu.dma_semaphore, #tpu.memory_space<semaphore_mem>>) src(%arg23 : memref<4000xf32, #tpu.memory_space<vmem>>) dst(%dma_wait3A_33 : memref<100096xf32, #tpu.memory_space<vmem_shared>>)
    %barrier3A_34 = arith.constant 0 : index
    tpu.barrier barrier_id(%barrier3A_34)
    %mul3A_35 = arith.constant 100096 : i32
    %mul3A_36 = arith.muli %arg0, %mul3A_35 : i32
    %add3A_37 = arith.addi %mul3A_36, %multiple_of3A : i32
    %multiple_of3A_38 = tpu.assume_multiple %add3A_37, 8 : i32
    "tpu.region"() ({
      %run_scoped3A = tpu.sem_alloc : memref<!tpu.dma_semaphore, #tpu.memory_space<semaphore_mem>>
      %dma_start3A_39 = tpu.memref_slice %arg29[%multiple_of3A] : memref<100096xf32, #tpu.memory_space<vmem_shared>> -> memref<6256xf32, #tpu.memory_space<vmem_shared>>
      %dma_start3A_40 = tpu.memref_slice %arg29[%multiple_of3A] : memref<100096xf32, #tpu.memory_space<vmem_shared>> -> memref<6256xf32, #tpu.memory_space<vmem_shared>>
      tpu.enqueue_dma source(%dma_start3A_40 : memref<6256xf32, #tpu.memory_space<vmem_shared>>) target(%arg26 : memref<6256xf32, #tpu.memory_space<vmem>>) target_semaphore(%run_scoped3A : memref<!tpu.dma_semaphore, #tpu.memory_space<semaphore_mem>>)
      %dma_wait3A_41 = tpu.memref_slice %arg29[%multiple_of3A] : memref<100096xf32, #tpu.memory_space<vmem_shared>> -> memref<6256xf32, #tpu.memory_space<vmem_shared>>
      %dma_wait3A_42 = tpu.memref_slice %arg29[%multiple_of3A] : memref<100096xf32, #tpu.memory_space<vmem_shared>> -> memref<6256xf32, #tpu.memory_space<vmem_shared>>
      tpu.wait_dma2 semaphore(%run_scoped3A : memref<!tpu.dma_semaphore, #tpu.memory_space<semaphore_mem>>) src(%dma_wait3A_42 : memref<6256xf32, #tpu.memory_space<vmem_shared>>) dst(%arg26 : memref<6256xf32, #tpu.memory_space<vmem>>)
      tpu.yield
    }) : () -> ()
    "tpu.region"() ({
      %run_scoped3A = tpu.sem_alloc : memref<!tpu.dma_semaphore, #tpu.memory_space<semaphore_mem>>
      %dma_start3A_39 = tpu.memref_slice %arg6[%multiple_of3A_38] : memref<200192xf32, #tpu.memory_space<hbm>> -> memref<6256xf32, #tpu.memory_space<hbm>>
      %dma_start3A_40 = tpu.memref_slice %arg6[%multiple_of3A_38] : memref<200192xf32, #tpu.memory_space<hbm>> -> memref<6256xf32, #tpu.memory_space<hbm>>
      tpu.enqueue_dma source(%arg26 : memref<6256xf32, #tpu.memory_space<vmem>>) target(%dma_start3A_40 : memref<6256xf32, #tpu.memory_space<hbm>>) target_semaphore(%run_scoped3A : memref<!tpu.dma_semaphore, #tpu.memory_space<semaphore_mem>>)
      %dma_wait3A_41 = tpu.memref_slice %arg6[%multiple_of3A_38] : memref<200192xf32, #tpu.memory_space<hbm>> -> memref<6256xf32, #tpu.memory_space<hbm>>
      %dma_wait3A_42 = tpu.memref_slice %arg6[%multiple_of3A_38] : memref<200192xf32, #tpu.memory_space<hbm>> -> memref<6256xf32, #tpu.memory_space<hbm>>
      tpu.wait_dma2 semaphore(%run_scoped3A : memref<!tpu.dma_semaphore, #tpu.memory_space<semaphore_mem>>) src(%arg26 : memref<6256xf32, #tpu.memory_space<vmem>>) dst(%dma_wait3A_42 : memref<6256xf32, #tpu.memory_space<hbm>>)
      tpu.yield
    }) : () -> ()
    "tpu.region"() ({
      %run_scoped3A = tpu.sem_alloc : memref<!tpu.dma_semaphore, #tpu.memory_space<semaphore_mem>>
      %dma_start3A_39 = tpu.memref_slice %arg30[%multiple_of3A] : memref<100096xf32, #tpu.memory_space<vmem_shared>> -> memref<6256xf32, #tpu.memory_space<vmem_shared>>
      %dma_start3A_40 = tpu.memref_slice %arg30[%multiple_of3A] : memref<100096xf32, #tpu.memory_space<vmem_shared>> -> memref<6256xf32, #tpu.memory_space<vmem_shared>>
      tpu.enqueue_dma source(%dma_start3A_40 : memref<6256xf32, #tpu.memory_space<vmem_shared>>) target(%arg26 : memref<6256xf32, #tpu.memory_space<vmem>>) target_semaphore(%run_scoped3A : memref<!tpu.dma_semaphore, #tpu.memory_space<semaphore_mem>>)
      %dma_wait3A_41 = tpu.memref_slice %arg30[%multiple_of3A] : memref<100096xf32, #tpu.memory_space<vmem_shared>> -> memref<6256xf32, #tpu.memory_space<vmem_shared>>
      %dma_wait3A_42 = tpu.memref_slice %arg30[%multiple_of3A] : memref<100096xf32, #tpu.memory_space<vmem_shared>> -> memref<6256xf32, #tpu.memory_space<vmem_shared>>
      tpu.wait_dma2 semaphore(%run_scoped3A : memref<!tpu.dma_semaphore, #tpu.memory_space<semaphore_mem>>) src(%dma_wait3A_42 : memref<6256xf32, #tpu.memory_space<vmem_shared>>) dst(%arg26 : memref<6256xf32, #tpu.memory_space<vmem>>)
      tpu.yield
    }) : () -> ()
    "tpu.region"() ({
      %run_scoped3A = tpu.sem_alloc : memref<!tpu.dma_semaphore, #tpu.memory_space<semaphore_mem>>
      %dma_start3A_39 = tpu.memref_slice %arg7[%multiple_of3A_38] : memref<200192xf32, #tpu.memory_space<hbm>> -> memref<6256xf32, #tpu.memory_space<hbm>>
      %dma_start3A_40 = tpu.memref_slice %arg7[%multiple_of3A_38] : memref<200192xf32, #tpu.memory_space<hbm>> -> memref<6256xf32, #tpu.memory_space<hbm>>
      tpu.enqueue_dma source(%arg26 : memref<6256xf32, #tpu.memory_space<vmem>>) target(%dma_start3A_40 : memref<6256xf32, #tpu.memory_space<hbm>>) target_semaphore(%run_scoped3A : memref<!tpu.dma_semaphore, #tpu.memory_space<semaphore_mem>>)
      %dma_wait3A_41 = tpu.memref_slice %arg7[%multiple_of3A_38] : memref<200192xf32, #tpu.memory_space<hbm>> -> memref<6256xf32, #tpu.memory_space<hbm>>
      %dma_wait3A_42 = tpu.memref_slice %arg7[%multiple_of3A_38] : memref<200192xf32, #tpu.memory_space<hbm>> -> memref<6256xf32, #tpu.memory_space<hbm>>
      tpu.wait_dma2 semaphore(%run_scoped3A : memref<!tpu.dma_semaphore, #tpu.memory_space<semaphore_mem>>) src(%arg26 : memref<6256xf32, #tpu.memory_space<vmem>>) dst(%dma_wait3A_42 : memref<6256xf32, #tpu.memory_space<hbm>>)
      tpu.yield
    }) : () -> ()
    return
  }
}

module attributes {stable_mosaic.version = 14 : i64} {
  func.func @_combine_body(%arg0: memref<782x128xf32, #tpu.memory_space<vmem>>, %arg1: memref<782x128xf32, #tpu.memory_space<vmem>>, %arg2: memref<782x128xf32, #tpu.memory_space<vmem>>, %arg3: memref<782x128xf32, #tpu.memory_space<vmem>>, %arg4: memref<782x128xf32, #tpu.memory_space<vmem>>, %arg5: memref<782x128xf32, #tpu.memory_space<vmem>>, %arg6: memref<782x128xf32, #tpu.memory_space<vmem>>, %arg7: memref<782x128xf32, #tpu.memory_space<vmem>>) attributes {dimension_semantics = [], scalar_prefetch = 0 : i64, scratch_operands = 0 : i64, tpu.core_type = #tpu.core_type<tc>} {
    %get3A = arith.constant 0 : index
    %get3A_0 = arith.constant 0 : index
    %get3A_1 = vector.load %arg0[%get3A, %get3A_0] : memref<782x128xf32, #tpu.memory_space<vmem>>, vector<782x128xf32>
    %get3A_2 = arith.constant 0 : index
    %get3A_3 = arith.constant 0 : index
    %get3A_4 = vector.load %arg1[%get3A_2, %get3A_3] : memref<782x128xf32, #tpu.memory_space<vmem>>, vector<782x128xf32>
    %add3A = arith.addf %get3A_1, %get3A_4 : vector<782x128xf32>
    %get3A_5 = arith.constant 0 : index
    %get3A_6 = arith.constant 0 : index
    %get3A_7 = vector.load %arg4[%get3A_5, %get3A_6] : memref<782x128xf32, #tpu.memory_space<vmem>>, vector<782x128xf32>
    %mul3A = arith.constant 1.000000e-01 : f32
    %mul3A_8 = vector.broadcast %mul3A : f32 to vector<782x128xf32>
    %mul3A_9 = arith.mulf %mul3A_8, %get3A_7 : vector<782x128xf32>
    %sub3A = arith.subf %add3A, %mul3A_9 : vector<782x128xf32>
    %swap3A = arith.constant 0 : index
    %swap3A_10 = arith.constant 0 : index
    %swap3A_11 = vector.load %arg6[%swap3A, %swap3A_10] : memref<782x128xf32, #tpu.memory_space<vmem>>, vector<782x128xf32>
    tpu.vector_store %arg6[%swap3A, %swap3A_10], %sub3A {strides = array<i32>} : memref<782x128xf32, #tpu.memory_space<vmem>>, vector<782x128xf32>,
    %get3A_12 = arith.constant 0 : index
    %get3A_13 = arith.constant 0 : index
    %get3A_14 = vector.load %arg2[%get3A_12, %get3A_13] : memref<782x128xf32, #tpu.memory_space<vmem>>, vector<782x128xf32>
    %get3A_15 = arith.constant 0 : index
    %get3A_16 = arith.constant 0 : index
    %get3A_17 = vector.load %arg3[%get3A_15, %get3A_16] : memref<782x128xf32, #tpu.memory_space<vmem>>, vector<782x128xf32>
    %add3A_18 = arith.addf %get3A_14, %get3A_17 : vector<782x128xf32>
    %get3A_19 = arith.constant 0 : index
    %get3A_20 = arith.constant 0 : index
    %get3A_21 = vector.load %arg5[%get3A_19, %get3A_20] : memref<782x128xf32, #tpu.memory_space<vmem>>, vector<782x128xf32>
    %mul3A_22 = arith.constant 1.000000e-01 : f32
    %mul3A_23 = vector.broadcast %mul3A_22 : f32 to vector<782x128xf32>
    %mul3A_24 = arith.mulf %mul3A_23, %get3A_21 : vector<782x128xf32>
    %sub3A_25 = arith.subf %add3A_18, %mul3A_24 : vector<782x128xf32>
    %swap3A_26 = arith.constant 0 : index
    %swap3A_27 = arith.constant 0 : index
    %swap3A_28 = vector.load %arg7[%swap3A_26, %swap3A_27] : memref<782x128xf32, #tpu.memory_space<vmem>>, vector<782x128xf32>
    tpu.vector_store %arg7[%swap3A_26, %swap3A_27], %sub3A_25 {strides = array<i32>} : memref<782x128xf32, #tpu.memory_space<vmem>>, vector<782x128xf32>,
    return
  }
}

</mosaic_0001>

<sc_bundles>
// kernel: kernel.4.cloned.1.call-start
scs
__scs_entry_jumppad:
0x0: {  	(pc) =	sbr.rel $0x88, $3  }
0x1: {  	(tag) =	ssettag $0x0;
	lr =	simm.s32 $0x1  }
0x2: {  	[smem:$0x3F9E] =	sst lr;
	_ =	strace $0xD0000000  }
0x3: {  	_ = 	snop  }
0x4: {  	_ = 	snop  }
0x5: {  	_ = 	snop  }
0x6: {  	_ = 	snop  }
0x7: {  	_ = 	snop  }
__scs_overlays_trampoline_lowered:
0x8: {  	[smem:$0x3FAD] =	sst s0  }
0x9: {  	[smem:$0x3FAE] =	sst s1  }
0xa: {  	[smem:$0x3FAF] =	sst s2  }
0xb: {  	[smem:$0x3FB0] =	sst s3  }
0xc: {  	[smem:$0x3FB1] =	sst s4  }
0xd: {  	[smem:$0x3FB2] =	sst s5  }
0xe: {  	[smem:$0x3FB3] =	sst s6  }
0xf: {  	[smem:$0x3FB4] =	sst s7  }
0x10: {  	[smem:$0x3FB5] =	sst s8  }
0x11: {  	[smem:$0x3FB6] =	sst s9;
	s0 =	simm.s32 @!p0 $0x0  }
0x12: {  	s1 =	sld [smem:$0x3F9C];
	s0 =	simm.s32 @p0 $0x1  }
0x13: {  	[smem:$0x3FB7] =	sst s0;
	s0 =	simm.s32 @!p1 $0x0  }
0x14: {  	s2 =	sld [smem:$0x3F9B];
	s0 =	simm.s32 @p1 $0x1  }
0x15: {  	[smem:$0x3FB8] =	sst s0;
	s0 =	simm.s32 @!p2 $0x0  }
0x16: {  	s3 =	sld [smem:$0x3FDB];
	s0 =	simm.s32 @p2 $0x1  }
0x17: {  	s4 =	simm.s32 $0x1BF5;
	[smem:$0x3FBA] =	sst s0  }
0x18: {  	s0 =	sld [smem:$0x3F9D];
	_ =	swait.ge [sflag:s4], $0x0  }
0x19: {  	s7 =	sld [smem:$0x3F9E]  }
0x1a: {  	s8 =	sadd.s32 $0xFFFFE003, lr  }
0x1b: {  	s9 =	sadd.s32 $0xFFFFFEF7, lr;
	s5 =	simm.s32 $0xFFFFFFFF;
	p2 =	slt.u32 s8, $0xFFFFF086  }
0x1c: {  	p1 =	slt.u32 s9, $0xF7A;
	s5 =	simm.s32 @!p2 $0x0  }
0x1d: {  	s5 =	simm.s32 @p1 $0x1;
	p0 =	seq.s32 s7, s2  }
0x1e: {  	s7 =	smul.u32 @!p0 $0xF7A, s2;
	p2 =	seq.s32 @!p0 s5, $0x0  }
0x1f: {  	s9 =	smul.u32 $0xF7A, s1;
	s8 =	simm.s32 @!p0 $0x1BF5;
	p2 =	por !p2, p0  }
0x20: {  	[sflag:s8] =	ssyncset.s32 @!p0 $0xFFFFF086;
	s6 =	sadd.s32 @!p0 s3, s7;
	s7 =	simm.s32 @!p0 $0x108  }
0x21: {  	s3 =	sadd.s32 s3, s9;
	s6 =	sadd.s32 @!p0 $0x88, s6;
	s7 =	simm.s32 @p2 $0x1082  }
0x22: {  	[simem:s7], [sflag:s8] =	dma.local @!p0 [hbm:s6], $0xF7A  }
0x23: {  	s9 =	sor.u32 $0xD0000000, s2;
	s6 =	simm.s32 $0x108;
	_ =	swait.ge @!p0 [sflag:s8], $0x0  }
0x24: {  	s3 =	sadd.s32 $0x88, s3;
	s6 =	simm.s32 @!p1 $0x1082;
	[sflag:s4] =	ssyncset.s32 $0xFFFFF086  }
0x25: {  	[simem:s6], [sflag:s4] =	dma.local [hbm:s3], $0xF7A  }
0x26: {  	[smem:$0x3F9E] =	sst s1;
	(tag) =	ssettag s2;
	_ =	strace s9  }
0x27: {  	s1 =	sld [smem:$0x3FAE]  }
0x28: {  	s2 =	sld [smem:$0x3FAF]  }
0x29: {  	s4 =	sld [smem:$0x3FB1]  }
0x2a: {  	p0 =	seq.s32 s5, $0x0;
	s5 =	sld [smem:$0x3FB2]  }
0x2b: {  	s6 =	sld [smem:$0x3FB3]  }
0x2c: {  	s7 =	sld [smem:$0x3FB4]  }
0x2d: {  	s3 =	simm.s32 $0x108;
	s8 =	sld [smem:$0x3FB5]  }
0x2e: {  	s3 =	simm.s32 @!p0 $0x1082;
	s9 =	sld [smem:$0x3FB6]  }
0x2f: {  	lr =	sadd.s32 s0, s3;
	s0 =	sld [smem:$0x3FAD]  }
0x30: {  	s3 =	sld [smem:$0x3FB0]  }
0x31: {  	[smem:$0x3FB9] =	sst s10  }
0x32: {  	s10 =	sld [smem:$0x3FB7];
	_ =	sdelay $0x3  }
0x33: {  	p0 =	seq.s32 s10, $0x1;
	s10 =	sld [smem:$0x3FB9];
	_ =	sdelay $0x3  }
0x34: {  	[smem:$0x3FB9] =	sst s10  }
0x35: {  	s10 =	sld [smem:$0x3FB8];
	_ =	sdelay $0x3  }
0x36: {  	p1 =	seq.s32 s10, $0x1;
	s10 =	sld [smem:$0x3FB9];
	_ =	sdelay $0x3  }
0x37: {  	[smem:$0x3FB9] =	sst s10  }
0x38: {  	s10 =	sld [smem:$0x3FBA]  }
0x39: {  	_ = 	snop;
	(pc) =	sbr.ind lr, $3  }
0x3a: {  	_ = 	snop  }
0x3b: {  	_ = 	snop  }
0x3c: {  	p2 =	seq.s32 s10, $0x1;
	s10 =	sld [smem:$0x3FB9]  }
0x3d: {  	_ =	shalt  }
0x3e: {  	_ =	shalt  }
0x3f: {  	_ =	shalt  }
0x40: {  	_ =	shalt  }
0x41: {  	_ =	shalt  }
0x42: {  	_ =	shalt  }
0x43: {  	_ =	shalt  }
0x44: {  	_ =	shalt  }
0x45: {  	_ =	shalt  }
0x46: {  	_ =	shalt  }
0x47: {  	_ =	shalt  }
0x48: {  	_ =	shalt  }
0x49: {  	_ =	shalt  }
0x4a: {  	_ =	shalt  }
0x4b: {  	_ =	shalt  }
0x4c: {  	_ =	shalt  }
0x4d: {  	_ =	shalt  }
0x4e: {  	_ =	shalt  }
0x4f: {  	_ =	shalt  }
0x50: {  	_ =	shalt  }
0x51: {  	_ =	shalt  }
0x52: {  	_ =	shalt  }
0x53: {  	_ =	shalt  }
0x54: {  	_ =	shalt  }
0x55: {  	_ =	shalt  }
0x56: {  	_ =	shalt  }
0x57: {  	_ =	shalt  }
0x58: {  	_ =	shalt  }
0x59: {  	_ =	shalt  }
0x5a: {  	_ =	shalt  }
0x5b: {  	_ =	shalt  }
0x5c: {  	_ =	shalt  }
0x5d: {  	_ =	shalt  }
0x5e: {  	_ =	shalt  }
0x5f: {  	_ =	shalt  }
0x60: {  	_ =	shalt  }
0x61: {  	_ =	shalt  }
0x62: {  	_ =	shalt  }
0x63: {  	_ =	shalt  }
0x64: {  	_ =	shalt  }
0x65: {  	_ =	shalt  }
0x66: {  	_ =	shalt  }
0x67: {  	_ =	shalt  }
0x68: {  	_ =	shalt  }
0x69: {  	_ =	shalt  }
0x6a: {  	_ =	shalt  }
0x6b: {  	_ =	shalt  }
0x6c: {  	_ =	shalt  }
0x6d: {  	_ =	shalt  }
0x6e: {  	_ =	shalt  }
0x6f: {  	_ =	shalt  }
0x70: {  	_ =	shalt  }
0x71: {  	_ =	shalt  }
0x72: {  	_ =	shalt  }
0x73: {  	_ =	shalt  }
0x74: {  	_ =	shalt  }
0x75: {  	_ =	shalt  }
0x76: {  	_ =	shalt  }
0x77: {  	_ =	shalt  }
0x78: {  	_ =	shalt  }
0x79: {  	_ =	shalt  }
0x7a: {  	_ =	shalt  }
0x7b: {  	_ =	shalt  }
0x7c: {  	_ =	shalt  }
0x7d: {  	_ =	shalt  }
0x7e: {  	_ =	shalt  }
0x7f: {  	_ =	shalt  }
0x80: {  	_ =	shalt  }
0x81: {  	_ =	shalt  }
0x82: {  	_ =	shalt  }
0x83: {  	_ =	shalt  }
0x84: {  	_ =	shalt  }
0x85: {  	_ =	shalt  }
0x86: {  	_ =	shalt  }
0x87: {  	_ =	shalt  }
.Lfunc_end0:
.L_simem_size_0:
called_computation_lowered:
.L_overlay_start_0:
0x88: {  	s2 =	sld [smem:$0x3FD9]  }
0x89: {  	s3 =	sld [smem:$0x3FFE];
	_ =	sdelay $0x1  }
0x8a: {  	s1 =	srdreg.scid  }
0x8b: {  	s0 =	sand.u32 $0x1, s1  }
0x8c: {  	s17 =	sshll.u32 s0, $0xA;
	s2 =	sadd.s32 s3, s2  }
0x8d: {  	s2 =	sadd.s32 s2, s17  }
0x8e: {  	[smem:$0x3FC5] =	sst s2  }
0x8f: {  	_ = 	snop  }
0x90: {  	s2 =	sld [smem:$0x3FD0];
	(tm) =	ssettm $0x1  }
0x91: {  	s18 =	sld [smem:$0x3FFB];
	_ =	sdelay $0x3  }
0x92: {  	_ =	strace s18  }
0x93: {  	s3 =	sld [smem:$0x3FFC];
	_ =	sdelay $0x3  }
0x94: {  	_ =	strace s3  }
0x95: {  	s3 =	sld [smem:$0x3FFD];
	_ =	sdelay $0x3  }
0x96: {  	_ =	strace s3  }
0x97: {  	_ =	strace $0x8FFFFFFF  }
0x98: {  	s19 =	sld [smem:$0x3FDB];
	_ =	sdelay $0x1  }
0x99: {  	s4 =	simm.s32 $_scs_section_size  }
0x9a: {  	s5 =	simm.s32 $_size__tile_overlayer_lowered;
	s6 =	simm.s32 $_tile_overlayer_lowered  }
0x9b: {  	s22 =	simm.s32 $0x1BFF;
	s21 =	sshll.u32 s6, $0x1;
	s3 =	sadd.s32 s4, s19  }
0x9c: {  	s7 =	simm.s32 $0x0;
	s20 =	sshll.u32 s5, $0x1;
	s5 =	sadd.s32 s21, s3  }
0x9d: {  	[timem:s7], [sflag:s22] =	dma.local [hbm:s5], s20  }
0x9e: {  	_ =	swait.ge [sflag:s22], s20  }
0x9f: {  	s4 =	ssub.s32 $0x0, s20;
	[sflag:s22] =	ssyncset.done $0x0  }
0xa0: {  	[sflag:s22] =	ssyncadd.s32 s4;
	_ =	sdelay $0x1  }
0xa1: {  	s23 =	simm.s32 $0x1B8B  }
0xa2: {  	_ =	swait.ge [sflag:s23], $0x1  }
0xa3: {  	[sflag:s23] =	ssyncset.done $0x0  }
0xa4: {  	s25 =	simm.s32 $0x1B8E;
	s24 =	sld [smem:$0x3FFE];
	[sflag:s23] =	ssyncadd.s32 $0xFFFFFFFF  }
0xa5: {  	s26 =	simm.s32 $execute0_lowered;
	[smem:$0x3FD2] =	sst s25  }
0xa6: {  	s5 =	sshll.u32 s26, $0x1;
	_ =	strace $0x80000046;
	[dreg:$0x1] =	wrdreg $0xFFFFFFFF  }
0xa7: {  	s28 =	simm.s32 $_size_execute0_lowered;
	s3 =	sadd.s32 s3, s5;
	[dreg:$0x0] =	wrdreg $0x0  }
0xa8: {  	s5 =	sshll.u32 s28, $0x1;
	[dreg:$0x2] =	wrdreg s3  }
0xa9: {  	[dreg:$0x3] =	wrdreg s5  }
0xaa: {  	[dreg:$0x4] =	wrdreg $0xC0  }
0xab: {  	_ =	task [dreg:s7], $0x5FFFF  }
0xac: {  	[dreg:$0x1] =	wrdreg $0xFFFFFFFF  }
0xad: {  	[dreg:$0x0] =	wrdreg $0x60  }
0xae: {  	[dreg:$0x2] =	wrdreg s2  }
0xaf: {  	[dreg:$0x3] =	wrdreg s24  }
0xb0: {  	[dreg:$0x4] =	wrdreg $0x138800  }
0xb1: {  	[dreg:$0x5] =	wrdreg $0x150F00  }
0xb2: {  	[dreg:$0x6] =	wrdreg $0x169600  }
0xb3: {  	[dreg:$0x7] =	wrdreg $0x181D00  }
0xb4: {  	[dreg:$0x8] =	wrdreg $0x9  }
0xb5: {  	_ =	task.clear_ibuf [dreg:s7], $0x9FFFF;
	_ =	strace $0x90000046  }
0xb6: {  	s29 =	simm.s32 $0x9;
	_ =	strace $0x80000048  }
0xb7: {  	_ =	swait.ge [sflag:s29], $0x1  }
0xb8: {  	[sflag:s29] =	ssyncadd.s32 $0xFFFFFFFF  }
0xb9: {  	_ =	strace $0x90000048  }
0xba: {  	_ =	sfence  }
0xbb: {  	s30 =	sld [smem:$0x0];
	_ =	sdelay $0x2  }
0xbc: {  	s31 =	sshll.u32 s1, $0xD;
	s1 =	sshrl.u32 s1, $0x2  }
0xbd: {  	s3 =	sand.u32 $0x4000, s31;
	s1 =	sadd.s32 s1, s30  }
0xbe: {  	s0 =	sor.u32 s3, s0;
	s1 =	sshll.u32 s1, $0x11  }
0xbf: {  	s0 =	sor.u32 s1, s0  }
0xc0: {  	s0 =	sadd.s32 $0x8F2B, s0  }
0xc1: {  	[sflag:s0] =	ssyncadd.remote.s32 $0x1  }
0xc2: {  	_ =	sfence.sel $0xFFFF  }
0xc3: {  	[dreg:$0x0] =	wrdreg $0xFFFFFFFF;
	(pc) =	sbr.abs _section_cstart, $3  }
0xc4: {  	[dreg:$0x1] =	wrdreg $0xFFFFFFFF  }
0xc5: {  	_ =	task.clear_ibuf [dreg:s7], $0x2FFFF;
	_ =	strace $0x9FFFFFFF  }
0xc6: {  	(tm) =	ssettm $0x7FFFFFFF  }
0xc7: {  	_ =	shalt  }
tec
execute0_lowered:
.L_overlay_start_1:
0x0: {  	(tag) =	ssettag $0x1  }
0x1: {  	s0 =	rddreg [dreg:$0x0]  }
0x2: {  	s2 =	rddreg [dreg:$0x1]  }
0x3: {  	s1 =	rddreg [dreg:$0x2]  }
0x4: {  	s3 =	rddreg [dreg:$0x3]  }
0x5: {  	s4 =	rddreg [dreg:$0x4]  }
0x6: {  	s5 =	rddreg [dreg:$0x5];
	s15 =	stileid.u32  }
0x7: {  	s7 =	srdreg.scid;
	s6 =	simm.s32 $0x0;
	s28 =	simm.s32 $0xFA0  }
0x8: {  	s17 =	simm.s32 $0x1;
	s9 =	smul.u32 $0x1870, s15;
	s10 =	sand.u32 $0x1, s7  }
0x9: {  	[smem:$0x7FF] =	sst s6;
	s7 =	sadd.s32 $0xC3800, s2;
	s8 =	sadd.s32 $0x200, s2  }
0xa: {  	s12 =	smul.u32 $0x18700, s10;
	_ =	strace $0x80000047;
	s14 =	sshll.u32 s10, $0x4  }
0xb: {  	s10 =	ssub.s32 $0x2, s10;
	s11 =	sshrl.u32 s9, $0x3;
	s14 =	sor.u32 s15, s14  }
0xc: {  	s18 =	sshrl.u32 s10, $0x1;
	s19 =	sadd.s32 s9, s1;
	s21 =	sadd.s32 s9, s3  }
0xd: {  	s15 =	sadd.s32 s9, s5;
	s13 =	sadd.s32 s11, s2;
	s12 =	sadd.s32 s9, s12  }
0xe: {  	s14 =	smul.u32 $0x30D40, s14;
	s10 =	ssub.s32 s10, s18;
	[dreg:$0x8] =	wrdreg s19  }
0xf: {  	s0 =	sadd.s32 s0, s11;
	[dreg:$0xa] =	wrdreg s21;
	s18 =	simm.s32 $0x10000  }
0x10: {  	s11 =	simm.s32 $0x0;
	[dreg:$0xc] =	wrdreg s15;
	s12 =	sshrl.u32 s12, $0x3  }
0x11: {  	[dreg:$0x7] =	wrdreg s0;
	s20 =	sadd.s32 $0x186E00, s13;
	s31 =	smax.u32 s10, $0x1  }
0x12: {  	s10 =	simm.s32 $0x2;
	s13 =	simm.s32 $0x11000;
	s2 =	sadd.s32 s12, s2  }
0x13: {  	[dreg:$0x9] =	wrdreg s20;
	s22 =	sshrl.u32 s14, $0x3;
	s12 =	sadd.s32 s9, s4  }
0x14: {  	s19 =	sadd.s32 $0x1F40, s14;
	s20 =	sadd.s32 $0x2EE0, s14;
	[dreg:$0x13] =	wrdreg s31  }
0x15: {  	s14 =	simm.s32 $0x12000;
	s24 =	sadd.s32 s7, s22;
	[dreg:$0xb] =	wrdreg s12  }
0x16: {  	s9 =	simm.s32 $0x3000;
	s0 =	sadd.s32 s8, s22;
	[dreg:$0xd] =	wrdreg s24  }
0x17: {  	s23 =	sadd.s32 $0x1F4, s22;
	s29 =	sadd.s32 $0x18A000, s2;
	[dreg:$0xe] =	wrdreg s0  }
0x18: {  	s30 =	sadd.s32 $0x190200, s2;
	s25 =	sadd.s32 s7, s23;
	[dreg:$0x11] =	wrdreg s29  }
0x19: {  	s26 =	sadd.s32 s8, s23;
	[dreg:$0x12] =	wrdreg s30;
	s0 =	simm.s32 $0x1000  }
0x1a: {  	s23 =	simm.s32 $0x3;
	s24 =	simm.s32 $0xF000;
	[dreg:$0xf] =	wrdreg s25  }
0x1b: {  	v0 =	vimm.f32 $0.0e+00;
	[dreg:$0x10] =	wrdreg s26;
	s25 =	simm.s32 $0x4;
	s26 =	simm.s32 $0x2000  }
.LBB2_1:
0x1c: {  	[dreg:$0x14] =	wrdreg s11  }
0x1d: {  	s2 =	rddreg [dreg:$0x7]  }
0x1e: {  	[tilespmem:s14], [sflag:$0x4] =	stream.linear.gather [hbm4b:s2+s6], $0x1870, $0x38;
	[tilespmem:$0x19A40] =	vst v63  }
0x1f: {  	_ =	swait.ge [sflag:s25], $0x1870  }
0x20: {  	[sflag:s25] =	ssyncset.done $0x0  }
0x21: {  	s29 =	rddreg [dreg:$0x8];
	[sflag:s25] =	ssyncadd.s32 $0xFFFFE790  }
0x22: {  	[spmem:s29] =	stream.linear.scatter [tilespmem:s14], [sflag:$0x4], $0x1870, $0x38;
	[tilespmem:$0x19A40] =	vst v63  }
0x23: {  	_ =	swait.ge [sflag:s25], $0x1870  }
0x24: {  	[sflag:s25] =	ssyncset.done $0x0  }
0x25: {  	s30 =	rddreg [dreg:$0x9];
	[sflag:s25] =	ssyncadd.s32 $0xFFFFE790  }
0x26: {  	[tilespmem:s14], [sflag:$0x4] =	stream.linear.gather [hbm4b:s30+s6], $0x1870, $0x38;
	[tilespmem:$0x19A40] =	vst v63  }
0x27: {  	_ =	swait.ge [sflag:s25], $0x1870  }
0x28: {  	[sflag:s25] =	ssyncset.done $0x0  }
0x29: {  	s31 =	rddreg [dreg:$0xa];
	[sflag:s25] =	ssyncadd.s32 $0xFFFFE790  }
0x2a: {  	[spmem:s31] =	stream.linear.scatter [tilespmem:s14], [sflag:$0x4], $0x1870, $0x38;
	[tilespmem:$0x19A40] =	vst v63  }
0x2b: {  	_ =	swait.ge [sflag:s25], $0x1870  }
0x2c: {  	[sflag:s25] =	ssyncset.done $0x0  }
0x2d: {  	s11 =	simm.s32 $0x0;
	s2 =	simm.s32 $0x40;
	[sflag:s25] =	ssyncadd.s32 $0xFFFFE790  }
.LBB2_2:
0x2e: {  	p0 =	sne.s32 s2, $0x6180;
	[tilespmem:s11+$0x12000] =	vst v0;
	s11 =	smov.u32 s2;
	s2 =	sadd.s32 $0x40, s2  }
.Ltmp0:
0x2f: {  	(pc) =	sbr.rel @p0 .LBB2_2-.Ltmp0, $2  }
0x30: {  	_ =	sdelay $0x2  }
0x31: {  	s11 =	sshra.s32 s11, $0x2  }
0x32: {  	[tilespmem:s11+$0x12000] =	vst v0  }
0x33: {  	[spmem:s12] =	stream.linear.scatter [tilespmem:s14], [sflag:$0x4], $0x1870, $0x38;
	[tilespmem:$0x19A40] =	vst v63  }
0x34: {  	_ =	swait.ge [sflag:s25], $0x1870  }
0x35: {  	[sflag:s25] =	ssyncset.done $0x0  }
0x36: {  	[sflag:s25] =	ssyncadd.s32 $0xFFFFE790  }
0x37: {  	[spmem:s15] =	stream.linear.scatter [tilespmem:s14], [sflag:$0x4], $0x1870, $0x38;
	[tilespmem:$0x19A40] =	vst v63  }
0x38: {  	_ =	swait.ge [sflag:s25], $0x1870  }
0x39: {  	[sflag:s25] =	ssyncset.done $0x0  }
0x3a: {  	[sflag:s25] =	ssyncadd.s32 $0xFFFFE790  }
0x3b: {  	[bflag:$0x0] =	sbarrier.arrive $0xFFFF  }
0x3c: {  	s29 =	simm.s32 $0x0;
	s2 =	rddreg [dreg:$0xd]  }
0x3d: {  	[tilespmem:s29], [sflag:$0x4] =	stream.linear.gather [hbm4b:s2+s29], $0xFA0, $0x38;
	[tilespmem:$0x19A40] =	vst v63  }
0x3e: {  	_ =	swait.ge [sflag:s25], $0xFA0  }
0x3f: {  	[sflag:s25] =	ssyncset.done $0x0  }
0x40: {  	s14 =	rddreg [dreg:$0xe];
	[sflag:s25] =	ssyncadd.s32 $0xFFFFF060  }
0x41: {  	[tilespmem:s26], [sflag:$0x4] =	stream.linear.gather [hbm4b:s14+s29], $0xFA0, $0x38;
	[tilespmem:$0x19A40] =	vst v63  }
0x42: {  	_ =	swait.ge [sflag:s25], $0xFA0  }
0x43: {  	[sflag:s25] =	ssyncset.done $0x0  }
0x44: {  	s15 =	simm.s32 $0x4000;
	[sflag:s25] =	ssyncadd.s32 $0xFFFFF060  }
0x45: {  	[tilespmem:s15], [sflag:$0x1] =	stream.indirect.gather [spmem:s1], $0x1, s29, s28, $0xb8;
	[tilespmem:$0x19A40] =	vst v63  }
0x46: {  	s16 =	simm.s32 $0x6000  }
0x47: {  	[tilespmem:s16], [sflag:$0x1] =	stream.indirect.gather [spmem:s3], $0x1, s29, s28, $0xb8;
	[tilespmem:$0x19A40] =	vst v63  }
0x48: {  	s21 =	simm.s32 $0x8000  }
0x49: {  	[tilespmem:s21], [sflag:$0x1] =	stream.indirect.gather [spmem:s1], $0x1, s26, s28, $0xb8;
	[tilespmem:$0x19A40] =	vst v63  }
0x4a: {  	s22 =	simm.s32 $0xA000  }
0x4b: {  	[tilespmem:s22], [sflag:$0x1] =	stream.indirect.gather [spmem:s3], $0x1, s26, s28, $0xb8;
	[tilespmem:$0x19A40] =	vst v63  }
0x4c: {  	s30 =	rddreg [dreg:$0xf]  }
0x4d: {  	[tilespmem:s0], [sflag:$0x2] =	stream.linear.gather [hbm4b:s30+s29], $0xFA0, $0x38;
	[tilespmem:$0x19A40] =	vst v63  }
0x4e: {  	s31 =	rddreg [dreg:$0x10]  }
0x4f: {  	[tilespmem:s9], [sflag:$0x2] =	stream.linear.gather [hbm4b:s31+s29], $0xFA0, $0x38;
	[tilespmem:$0x19A40] =	vst v63  }
.LBB2_4:
0x50: {  	_ =	swait.ge [sflag:s10], $0xFA0  }
0x51: {  	[sflag:s10] =	ssyncset.done $0x0  }
0x52: {  	[sflag:s10] =	ssyncadd.s32 $0xFFFFF060  }
0x53: {  	_ =	swait.ge [sflag:s10], $0xFA0  }
0x54: {  	[sflag:s10] =	ssyncset.done $0x0  }
0x55: {  	s2 =	simm.s32 $0x5000;
	[sflag:s10] =	ssyncadd.s32 $0xFFFFF060  }
0x56: {  	[tilespmem:s2], [sflag:$0x1] =	stream.indirect.gather [spmem:s1], $0x1, s0, s28, $0xb8;
	[tilespmem:$0x19A40] =	vst v63  }
0x57: {  	s16 =	simm.s32 $0x7000  }
0x58: {  	[tilespmem:s16], [sflag:$0x1] =	stream.indirect.gather [spmem:s3], $0x1, s0, s28, $0xb8;
	[tilespmem:$0x19A40] =	vst v63  }
0x59: {  	s21 =	simm.s32 $0x9000  }
0x5a: {  	[tilespmem:s21], [sflag:$0x1] =	stream.indirect.gather [spmem:s1], $0x1, s9, s28, $0xb8;
	[tilespmem:$0x19A40] =	vst v63  }
0x5b: {  	s22 =	simm.s32 $0xB000  }
0x5c: {  	[tilespmem:s22], [sflag:$0x1] =	stream.indirect.gather [spmem:s3], $0x1, s9, s28, $0xb8;
	[tilespmem:$0x19A40] =	vst v63  }
0x5d: {  	_ =	swait.ge [sflag:s17], $0xFA0  }
0x5e: {  	[sflag:s17] =	ssyncset.done $0x0  }
0x5f: {  	[sflag:s17] =	ssyncadd.s32 $0xFFFFF060  }
0x60: {  	_ =	swait.ge [sflag:s17], $0xFA0  }
0x61: {  	[sflag:s17] =	ssyncset.done $0x0  }
0x62: {  	[sflag:s17] =	ssyncadd.s32 $0xFFFFF060  }
0x63: {  	_ =	swait.ge [sflag:s17], $0xFA0  }
0x64: {  	[sflag:s17] =	ssyncset.done $0x0  }
0x65: {  	[sflag:s17] =	ssyncadd.s32 $0xFFFFF060  }
0x66: {  	_ =	swait.ge [sflag:s17], $0xFA0  }
0x67: {  	[sflag:s17] =	ssyncset.done $0x0  }
0x68: {  	s31 =	simm.s32 $0x0;
	[sflag:s17] =	ssyncadd.s32 $0xFFFFF060  }
0x69: {  	v2 =	vld [tilespmem:s31+$0x2000]  }
0x6a: {  	v1 =	vld [tilespmem:s31+$0x6000]  }
0x6b: {  	v3 =	vld [tilespmem:s31+$0x4000]  }
0x6c: {  	v4 =	vld [tilespmem:s31+$0xA000]  }
0x6d: {  	v5 =	vld [tilespmem:s31+$0x8000]  }
0x6e: {  	s30 =	simm.s32 $0x10;
	[tilespmem:s31+$0x10000] =	vst v2  }
0x6f: {  	v2 =	vld [tilespmem:s30+$0x6000]  }
0x70: {  	v6 =	vld [tilespmem:s30+$0x2000]  }
0x71: {  	v18 =	vsub.f32 v4, v1;
	v1 =	vld [tilespmem:s30+$0x4000]  }
0x72: {  	v19 =	vsub.f32 v5, v3;
	v3 =	vld [tilespmem:s30+$0x8000]  }
0x73: {  	v5 =	vld [tilespmem:s30+$0xA000]  }
0x74: {  	v4 =	vmul.f32 v19, v19;
	v7 =	vmul.f32 v18, v18  }
0x75: {  	s2 =	simm.s32 $0x20;
	[tilespmem:s30+$0x10000] =	vst v6  }
0x76: {  	v7 =	vadd.f32 v7, v4;
	v4 =	vld [tilespmem:s2+$0x6000]  }
0x77: {  	v8 =	vsub.f32 v3, v1;
	v3 =	vld [tilespmem:s2+$0x4000]  }
0x78: {  	v1 =	vmax.f32 v7, $1.000000000e-30;
	v9 =	vsub.f32 v5, v2;
	v5 =	vld [tilespmem:s2+$0x8000]  }
0x79: {  	v2 =	vshra.s32 v1, $0x1;
	v1 =	vmul.f32 $5.000000000e-01, v1;
	v10 =	vld [tilespmem:s2+$0x2000]  }
0x7a: {  	v12 =	vld [tilespmem:s2+$0xA000];
	v6 =	vmul.f32 v8, v8;
	v2 =	vsub.s32 $0x5F3759DF, v2  }
0x7b: {  	v13 =	vmul.f32 v9, v9;
	v11 =	vmul.f32 v2, v1;
	_ =	sdelay $0x1  }
0x7c: {  	v13 =	vadd.f32 v13, v6;
	v11 =	vmul.f32 v2, v11  }
0x7d: {  	v3 =	vsub.f32 v5, v3  }
0x7e: {  	s11 =	simm.s32 $0x30;
	v5 =	vmax.f32 v13, $1.000000000e-30;
	[tilespmem:s2+$0x10000] =	vst v10;
	v4 =	vsub.f32 v12, v4;
	v6 =	vsub.f32 $1.500000000e+00, v11  }
0x7f: {  	v10 =	vshra.s32 v5, $0x1;
	v5 =	vmul.f32 $5.000000000e-01, v5;
	v11 =	vld [tilespmem:s11+$0x6000]  }
0x80: {  	v16 =	vld [tilespmem:s11+$0x2000];
	v10 =	vsub.s32 $0x5F3759DF, v10;
	v15 =	vmul.f32 v4, v4;
	v2 =	vmul.f32 v2, v6  }
0x81: {  	v12 =	vld [tilespmem:s11+$0x4000];
	v6 =	vmul.f32 v3, v3;
	v14 =	vmul.f32 v10, v5  }
0x82: {  	v20 =	vld [tilespmem:s11+$0x8000];
	v17 =	vmul.f32 v2, v1  }
0x83: {  	v21 =	vld [tilespmem:s11+$0xA000];
	v14 =	vmul.f32 v10, v14;
	v22 =	vadd.f32 v15, v6  }
0x84: {  	v6 =	vmul.f32 v17, v2  }
0x85: {  	s12 =	simm.s32 $0x40;
	[tilespmem:s11+$0x10000] =	vst v16;
	v14 =	vsub.f32 $1.500000000e+00, v14;
	v15 =	vmax.f32 v22, $1.000000000e-30  }
0x86: {  	v24 =	vld [tilespmem:s12+$0xA000];
	v16 =	vshra.s32 v15, $0x1;
	v23 =	vmul.f32 $5.000000000e-01, v15;
	v17 =	vsub.f32 $1.500000000e+00, v6  }
0x87: {  	v15 =	vld [tilespmem:s12+$0x6000];
	v14 =	vmul.f32 v10, v14;
	v6 =	vsub.f32 v20, v12;
	v12 =	vsub.s32 $0x5F3759DF, v16  }
0x88: {  	v10 =	vsub.f32 v21, v11;
	v11 =	vld [tilespmem:s12+$0x4000];
	v16 =	vmul.f32 v17, v2;
	v2 =	vmul.f32 v12, v23  }
0x89: {  	v21 =	vld [tilespmem:s12+$0x8000];
	v17 =	vmul.f32 v14, v5;
	v20 =	vmul.f32 v6, v6  }
0x8a: {  	v25 =	vmul.f32 v10, v10;
	v2 =	vmul.f32 v12, v2  }
0x8b: {  	v27 =	vld [tilespmem:s12+$0x2000];
	v1 =	vmul.f32 v16, v1;
	v26 =	vmul.f32 v17, v14  }
0x8c: {  	v17 =	vadd.f32 v25, v20;
	v2 =	vsub.f32 $1.500000000e+00, v2  }
0x8d: {  	v20 =	vmul.f32 v1, v16;
	v25 =	vsub.f32 $1.500000000e+00, v26;
	v1 =	vsub.f32 v24, v15  }
0x8e: {  	v12 =	vmul.f32 v12, v2;
	v2 =	vsub.f32 v21, v11  }
0x8f: {  	v11 =	vmax.f32 v17, $1.000000000e-30;
	v26 =	vmul.f32 v1, v1;
	v14 =	vmul.f32 v25, v14  }
0x90: {  	s15 =	simm.s32 $0x50;
	[tilespmem:s12+$0x10000] =	vst v27;
	v15 =	vshra.s32 v11, $0x1;
	v21 =	vmul.f32 $5.000000000e-01, v11;
	v11 =	vsub.f32 $1.500000000e+00, v20  }
0x91: {  	v27 =	vld [tilespmem:s15+$0x6000];
	v20 =	vmul.f32 v2, v2;
	v24 =	vsub.s32 $0x5F3759DF, v15;
	v25 =	vmul.f32 v12, v23  }
0x92: {  	v29 =	vld [tilespmem:s15+$0xA000];
	v5 =	vmul.f32 v14, v5;
	v15 =	vmul.f32 v24, v21  }
0x93: {  	v11 =	vmul.f32 v11, v16;
	v25 =	vmul.f32 v25, v12  }
0x94: {  	v31 =	vld [tilespmem:s15+$0x2000];
	v5 =	vmul.f32 v5, v14;
	v28 =	vmul.f32 v24, v15;
	v15 =	vadd.f32 v26, v20  }
0x95: {  	v16 =	vld [tilespmem:s15+$0x4000];
	v30 =	vmin.f32 v11, $1.000000000e+01;
	v11 =	vmul.f32 v11, v7;
	v25 =	vsub.f32 $1.500000000e+00, v25  }
0x96: {  	v20 =	vld [tilespmem:s15+$0x8000];
	v7 =	vsub.f32 $1.500000000e+00, v5;
	v28 =	vsub.f32 $1.500000000e+00, v28;
	v26 =	vmax.f32 v15, $1.000000000e-30  }
0x97: {  	v5 =	vsub.f32 v29, v27;
	v32 =	vshra.s32 v26, $0x1;
	v26 =	vmul.f32 $5.000000000e-01, v26  }
0x98: {  	v33 =	vmul.f32 v30, v30;
	v24 =	vmul.f32 v24, v28;
	v28 =	vsub.s32 $0x5F3759DF, v32  }
0x99: {  	v12 =	vmul.f32 v25, v12;
	v32 =	vmul.f32 v28, v26  }
0x9a: {  	s16 =	simm.s32 $0x60;
	[tilespmem:s15+$0x10000] =	vst v31;
	v14 =	vmul.f32 v7, v14;
	v31 =	vmul.f32 v5, v5  }
0x9b: {  	v29 =	vld [tilespmem:s16+$0x8000];
	v7 =	vsub.f32 v20, v16;
	v25 =	vmul.f32 v24, v21;
	v16 =	vmul.f32 v28, v32  }
0x9c: {  	v11 =	vmax.f32 v11, $9.999999960e-13;
	v20 =	vmul.f32 v12, v23;
	v23 =	vld [tilespmem:s16+$0x4000];
	v13 =	vmul.f32 v14, v13  }
0x9d: {  	v27 =	vmul.f32 v7, v7;
	v25 =	vmul.f32 v25, v24;
	v16 =	vsub.f32 $1.500000000e+00, v16  }
0x9e: {  	(erf) = vrcp.f32 v11;
	v20 =	vmul.f32 v20, v12;
	v13 =	vmax.f32 v13, $9.999999960e-13  }
0x9f: {  	v25 =	vsub.f32 $1.500000000e+00, v25;
	v28 =	vmul.f32 v28, v16;
	v16 =	vadd.f32 v31, v27;
	v27 =	vld [tilespmem:s16+$0x2000]  }
0xa0: {  	v35 =	vmul.f32 v33, v33;
	(erf) = vrcp.f32 v13;
	v31 =	vsub.f32 $1.500000000e+00, v20  }
0xa1: {  	v54 =	vld [tilespmem:s16+$0x6000];
	v11 =	vsub.f32 v29, v23;
	v34 =	vmul.f32 v25, v24;
	v25 =	vmul.f32 v28, v26  }
0xa2: {  	v24 =	vld [tilespmem:s16+$0xA000];
	v20 =	vmax.f32 v16, $1.000000000e-30;
	v29 =	vmul.f32 v31, v12;
	v31 =	vmul.f32 v35, v33  }
0xa3: {  	v23 =	vshra.s32 v20, $0x1;
	v20 =	vmul.f32 $5.000000000e-01, v20;
	v21 =	vmul.f32 v34, v21  }
0xa4: {  	s21 =	simm.s32 $0x70;
	v55 =	vsub.s32 $0x5F3759DF, v23;
	v23 =	vmin.f32 v14, $1.000000000e+01;
	v14 =	vmul.f32 v11, v11;
	[tilespmem:s16+$0x10000] =	vst v27  }
0xa5: {  	v58 =	vmul.f32 $1.200000000e+01, v31;
	v25 =	vmul.f32 v25, v28;
	v57 =	vld [tilespmem:s21+$0x6000]  }
0xa6: {  	v31 =	vmul.f32 $4.000000000e+00, v31;
	v56 =	vmul.f32 v55, v20;
	v36 =	vld [tilespmem:s21+$0x4000]  }
0xa7: {  	v21 =	vmul.f32 v21, v34;
	v12 =	vsub.f32 v24, v54;
	v37 =	vld [tilespmem:s21+$0xA000];
	v35 =	vadd.f32 $-6.000000000e+00, v58  }
0xa8: {  	v22 =	vmul.f32 v29, v22;
	v38 =	vld [tilespmem:s21+$0x8000];
	v25 =	vsub.f32 $1.500000000e+00, v25;
	v27 =	vmul.f32 v55, v56  }
0xa9: {  	v21 =	vsub.f32 $1.500000000e+00, v21;
	v39 =	vmul.f32 v12, v12;
	v13 =	vmul.f32 v35, v31  }
0xaa: {  	v24 =	vmin.f32 v29, $1.000000000e+01;
	v25 =	vmul.f32 v25, v28;
	v28 =	vmul.f32 v23, v23  }
0xab: {  	v29 =	vsub.f32 $1.500000000e+00, v27;
	v27 =	vmax.f32 v22, $9.999999960e-13;
	v34 =	vmul.f32 v21, v34  }
0xac: {  	v59 =	vld [tilespmem:s21+$0x2000];
	v22 =	vadd.f32 v39, v14;
	v30 =	vmul.f32 v13, v30;
	v61 =	vmul.f32 v28, v28  }
0xad: {  	v60 =	vpop (erf);
	v29 =	vmul.f32 v55, v29;
	v14 =	vsub.f32 v37, v57;
	v13 =	vsub.f32 v38, v36  }
0xae: {  	v21 =	vmax.f32 v22, $1.000000000e-30;
	v62 =	vmul.f32 v30, v60;
	v35 =	vmul.f32 v61, v28  }
0xaf: {  	v31 =	vmul.f32 v29, v20;
	v63 =	vshra.s32 v21, $0x1;
	v21 =	vmul.f32 $5.000000000e-01, v21  }
0xb0: {  	v30 =	vmul.f32 v13, v13;
	v32 =	vsub.s32 $0x5F3759DF, v63;
	v19 =	vmul.f32 v62, v19  }
0xb1: {  	s22 =	simm.s32 $0x200;
	[tilespmem:s21+$0x10000] =	vst v59;
	v33 =	vmin.f32 v34, $1.000000000e+01;
	v28 =	vmul.f32 v62, v18;
	v18 =	vmovc v24;
	v36 =	vmul.f32 v32, v21  }
.LBB2_5:
0xb2: {  	v37 =	vmov v24;
	v24 =	vmov v33  }
0xb3: {  	s14 =	sshra.s32 s22, $0x2;
	p0 =	sne.s32 s22, $0x3E40;
	s22 =	sadd.s32 $0x40, s22;
	v26 =	vmul.f32 v25, v26;
	v33 =	vmul.f32 v34, v17;
	v17 =	vmov v15;
	v38 =	vpop (erf);
	[tilespmem:s31+$0xC000] =	vst v19  }
0xb4: {  	v15 =	vmovc v16;
	v16 =	vmovc v22;
	v39 =	vmov v10;
	v34 =	vmul.f32 v32, v36;
	v36 =	vmul.f32 $1.200000000e+01, v35;
	v19 =	vld [tilespmem:s14+$0x6000];
	[tilespmem:s31+$0xE000] =	vst v28;
	s31 =	smov.u32 s30;
	s30 =	smov.u32 s2;
	s2 =	smov.u32 s11  }
0xb5: {  	v22 =	vmul.f32 v31, v29;
	v10 =	vmovc v1;
	v1 =	vmovc v5;
	v31 =	vmax.f32 v33, $9.999999960e-13;
	v33 =	vmul.f32 $4.000000000e+00, v35;
	s11 =	smov.u32 s12;
	s12 =	smov.u32 s15;
	s15 =	smov.u32 s16;
	v28 =	vld [tilespmem:s14+$0x4000]  }
0xb6: {  	v5 =	vmovc v12;
	v12 =	vmovc v14;
	v43 =	vmul.f32 v26, v25;
	s16 =	smov.u32 s21;
	s21 =	smov.u32 s14;
	v34 =	vsub.f32 $1.500000000e+00, v34;
	v36 =	vadd.f32 $-6.000000000e+00, v36;
	v35 =	vld [tilespmem:s14+$0xA000]  }
0xb7: {  	v41 =	vmovc v6;
	v14 =	vmul.f32 v14, v12;
	v22 =	vsub.f32 $1.500000000e+00, v22;
	v40 =	vld [tilespmem:s21+$0x8000];
	(erf) = vrcp.f32 v27;
	v27 =	vmovc v31  }
0xb8: {  	v6 =	vmovc v2;
	v2 =	vmovc v7;
	v32 =	vmul.f32 v32, v34;
	v34 =	vsub.f32 $1.500000000e+00, v43;
	v33 =	vmul.f32 v36, v33;
	v42 =	vld [tilespmem:s21+$0x2000]  }
0xb9: {  	v7 =	vmovc v11;
	v11 =	vmovc v13;
	v37 =	vmul.f32 v37, v18;
	v26 =	vmov v20;
	v36 =	vmul.f32 v22, v29  }
0xba: {  	v22 =	vadd.f32 v14, v30;
	v31 =	vmul.f32 v32, v21;
	v30 =	vmul.f32 v33, v23;
	v29 =	vmovc v32  }
.Ltmp1:
0xbb: {  	v34 =	vmul.f32 v34, v25;
	v25 =	vmovc v36;
	v14 =	vsub.f32 v35, v19;
	v19 =	vmul.f32 v37, v37;
	(pc) =	sbr.rel @p0 .LBB2_5-.Ltmp1, $4  }
0xbc: {  	v20 =	vmovc v21;
	v23 =	vmovc v18;
	v38 =	vmul.f32 v30, v38;
	v13 =	vsub.f32 v40, v28;
	v28 =	vmax.f32 v22, $1.000000000e-30  }
0xbd: {  	v18 =	vmovc v24;
	[tilespmem:s21+$0x10000] =	vst v42;
	v32 =	vshra.s32 v28, $0x1;
	v21 =	vmul.f32 $5.000000000e-01, v28;
	v35 =	vmul.f32 v19, v37  }
0xbe: {  	v19 =	vmul.f32 v38, v8;
	v8 =	vmovc v3;
	v3 =	vmovc v41;
	v30 =	vmul.f32 v13, v13;
	v32 =	vsub.s32 $0x5F3759DF, v32  }
0xbf: {  	v33 =	vmin.f32 v34, $1.000000000e+01;
	v28 =	vmul.f32 v38, v9;
	v9 =	vmovc v4;
	v4 =	vmovc v39;
	v36 =	vmul.f32 v32, v21  }
0xc0: {  	v37 =	vmul.f32 $1.200000000e+01, v35;
	v26 =	vmul.f32 v25, v26  }
0xc1: {  	v17 =	vmul.f32 v34, v17;
	v62 =	vmul.f32 $4.000000000e+00, v35  }
0xc2: {  	v31 =	vmul.f32 v31, v29;
	v38 =	vmul.f32 v14, v14  }
0xc3: {  	(erf) = vrcp.f32 v27;
	v24 =	vmul.f32 v24, v18  }
0xc4: {  	v49 =	vmul.f32 v33, v33;
	v36 =	vmul.f32 v32, v36;
	v63 =	vadd.f32 $-6.000000000e+00, v37  }
0xc5: {  	v26 =	vmul.f32 v26, v25;
	v31 =	vsub.f32 $1.500000000e+00, v31;
	v30 =	vadd.f32 v38, v30  }
0xc6: {  	v43 =	vmul.f32 v24, v24;
	v17 =	vmax.f32 v17, $9.999999960e-13;
	v50 =	vmul.f32 v49, v49  }
0xc7: {  	v36 =	vsub.f32 $1.500000000e+00, v36;
	(erf) = vrcp.f32 v17;
	v34 =	vmul.f32 v63, v62  }
0xc8: {  	v26 =	vsub.f32 $1.500000000e+00, v26;
	v41 =	vmul.f32 v31, v29;
	v24 =	vmul.f32 v43, v24  }
0xc9: {  	v35 =	vmax.f32 v30, $1.000000000e-30;
	v53 =	vmul.f32 v50, v49;
	v39 =	vmul.f32 v32, v36  }
0xca: {  	v46 =	vmul.f32 $5.000000000e-01, v35;
	v23 =	vmul.f32 v34, v23  }
0xcb: {  	v44 =	vmul.f32 v26, v25;
	v20 =	vmul.f32 v41, v20  }
0xcc: {  	v45 =	vshra.s32 v35, $0x1;
	v48 =	vmul.f32 $1.200000000e+01, v24;
	v24 =	vmul.f32 $4.000000000e+00, v24  }
0xcd: {  	v40 =	vpop (erf);
	v26 =	vsub.s32 $0x5F3759DF, v45;
	v57 =	vmul.f32 $1.200000000e+01, v53;
	v42 =	vmul.f32 v39, v21  }
0xce: {  	v47 =	vmul.f32 v26, v46;
	v23 =	vmul.f32 v23, v40  }
0xcf: {  	v15 =	vmul.f32 v44, v15;
	v20 =	vmul.f32 v20, v41  }
0xd0: {  	v25 =	vmin.f32 v44, $1.000000000e+01;
	v34 =	vmul.f32 v26, v47;
	v31 =	vmul.f32 v42, v39  }
0xd1: {  	v60 =	vmul.f32 v25, v25;
	v8 =	vmul.f32 v23, v8  }
0xd2: {  	v9 =	vmul.f32 v23, v9;
	v23 =	vadd.f32 $-6.000000000e+00, v48;
	v34 =	vsub.f32 $1.500000000e+00, v34  }
0xd3: {  	v20 =	vsub.f32 $1.500000000e+00, v20;
	v15 =	vmax.f32 v15, $9.999999960e-13;
	v62 =	vmul.f32 v60, v60  }
0xd4: {  	v31 =	vsub.f32 $1.500000000e+00, v31;
	(erf) = vrcp.f32 v15;
	v51 =	vmul.f32 v26, v34  }
0xd5: {  	v23 =	vmul.f32 v23, v24;
	v20 =	vmul.f32 v20, v41  }
0xd6: {  	v55 =	vmul.f32 v31, v39;
	v56 =	vmul.f32 v51, v46  }
0xd7: {  	v52 =	vmul.f32 v23, v18;
	v23 =	vmul.f32 $4.000000000e+00, v53  }
0xd8: {  	v24 =	vadd.f32 $-6.000000000e+00, v57;
	v16 =	vmul.f32 v20, v16;
	v27 =	vmul.f32 v56, v51  }
0xd9: {  	v54 =	vpop (erf);
	v20 =	vmin.f32 v20, $1.000000000e+01;
	v58 =	vmul.f32 v55, v21;
	v21 =	vmul.f32 v62, v60  }
0xda: {  	v37 =	vmul.f32 v20, v20;
	v18 =	vmul.f32 v52, v54;
	v59 =	vsub.f32 $1.500000000e+00, v27  }
0xdb: {  	v23 =	vmul.f32 v24, v23;
	v35 =	vmul.f32 $1.200000000e+01, v21  }
0xdc: {  	v3 =	vmul.f32 v18, v3;
	v17 =	vmul.f32 v59, v51  }
0xdd: {  	v4 =	vmul.f32 v18, v4;
	v18 =	vmul.f32 v58, v55  }
0xde: {  	v38 =	vmul.f32 v37, v37;
	v63 =	vmul.f32 v17, v46  }
0xdf: {  	v21 =	vmul.f32 $4.000000000e+00, v21;
	v23 =	vmul.f32 v23, v33;
	v32 =	vsub.f32 $1.500000000e+00, v18  }
0xe0: {  	v61 =	vpop (erf);
	v41 =	vmul.f32 v38, v37;
	v34 =	vmul.f32 v63, v17  }
0xe1: {  	v16 =	vmax.f32 v16, $9.999999960e-13;
	v33 =	vmul.f32 v23, v61;
	v15 =	vmul.f32 v32, v55  }
0xe2: {  	(erf) = vrcp.f32 v16;
	v18 =	vadd.f32 $-6.000000000e+00, v35;
	v23 =	vsub.f32 $1.500000000e+00, v34  }
0xe3: {  	v45 =	vmul.f32 $1.200000000e+01, v41;
	v6 =	vmul.f32 v33, v6;
	v36 =	vmin.f32 v15, $1.000000000e+01  }
0xe4: {  	v39 =	vmul.f32 v36, v36;
	v17 =	vmul.f32 v23, v17  }
0xe5: {  	v10 =	vmul.f32 v33, v10;
	v40 =	vmul.f32 v18, v21  }
0xe6: {  	v15 =	vmul.f32 v15, v22;
	v43 =	vmul.f32 v39, v39;
	v42 =	vmin.f32 v17, $1.000000000e+01  }
0xe7: {  	v18 =	vmul.f32 $4.000000000e+00, v41;
	v44 =	vmul.f32 v42, v42  }
0xe8: {  	v15 =	vmax.f32 v15, $9.999999960e-13;
	v22 =	vmul.f32 v43, v39;
	v17 =	vmul.f32 v17, v30  }
0xe9: {  	(erf) = vrcp.f32 v15;
	v46 =	vmul.f32 v44, v44  }
0xea: {  	v47 =	vadd.f32 $-6.000000000e+00, v45;
	v48 =	vmul.f32 $1.200000000e+01, v22;
	v17 =	vmax.f32 v17, $9.999999960e-13  }
0xeb: {  	[tilespmem:s31+$0xC000] =	vst v19;
	(erf) = vrcp.f32 v17;
	v15 =	vmul.f32 v46, v44  }
0xec: {  	[tilespmem:s31+$0xE000] =	vst v28;
	v16 =	vmul.f32 v40, v25;
	v49 =	vmul.f32 v47, v18  }
0xed: {  	[tilespmem:s30+$0xC000] =	vst v8;
	v50 =	vpop (erf);
	v51 =	vmul.f32 $4.000000000e+00, v22;
	v52 =	vadd.f32 $-6.000000000e+00, v48;
	v53 =	vmul.f32 $1.200000000e+01, v15  }
0xee: {  	[tilespmem:s30+$0xE000] =	vst v9;
	v54 =	vmul.f32 v16, v50;
	v55 =	vmul.f32 v49, v20  }
0xef: {  	[tilespmem:s2+$0xC000] =	vst v3;
	v56 =	vpop (erf);
	v3 =	vmul.f32 v52, v51;
	v57 =	vmul.f32 $4.000000000e+00, v15;
	v58 =	vadd.f32 $-6.000000000e+00, v53  }
0xf0: {  	[tilespmem:s2+$0xE000] =	vst v4;
	v2 =	vmul.f32 v54, v2;
	v59 =	vmul.f32 v55, v56  }
0xf1: {  	[tilespmem:s11+$0xC000] =	vst v6;
	v3 =	vmul.f32 v3, v36;
	v60 =	vmul.f32 v58, v57  }
0xf2: {  	[tilespmem:s11+$0xE000] =	vst v10;
	v1 =	vmul.f32 v54, v1;
	v7 =	vmul.f32 v59, v7;
	v61 =	vpop (erf)  }
0xf3: {  	[tilespmem:s12+$0xC000] =	vst v2;
	v2 =	vmul.f32 v3, v61;
	v3 =	vmul.f32 v60, v42  }
0xf4: {  	[tilespmem:s12+$0xE000] =	vst v1;
	v1 =	vmul.f32 v59, v5;
	v62 =	vpop (erf)  }
0xf5: {  	p0 =	sne.s32 s29, $0x0;
	[tilespmem:s15+$0xC000] =	vst v7;
	v63 =	vmul.f32 v2, v11;
	v3 =	vmul.f32 v3, v62  }
.Ltmp2:
0xf6: {  	[tilespmem:s15+$0xE000] =	vst v1;
	v1 =	vmul.f32 v2, v12;
	(pc) =	sbr.rel @!p0 .LBB2_7-.Ltmp2, $4  }
0xf7: {  	[tilespmem:s16+$0xC000] =	vst v63;
	v2 =	vmul.f32 v3, v13  }
0xf8: {  	[tilespmem:s16+$0xE000] =	vst v1;
	v1 =	vmul.f32 v3, v14  }
0xf9: {  	[tilespmem:s21+$0xC000] =	vst v2  }
0xfa: {  	[tilespmem:s21+$0xE000] =	vst v1  }
0xfb: {  	_ =	swait.ge [sflag:s23], $0xFA0  }
0xfc: {  	[sflag:s23] =	ssyncset.done $0x0  }
0xfd: {  	[sflag:s23] =	ssyncadd.s32 $0xFFFFF060  }
0xfe: {  	p1 =	seq.s32 s29, $0x18;
	_ =	swait.ge [sflag:s23], $0xFA0  }
.Ltmp3:
0xff: {  	[sflag:s23] =	ssyncset.done $0x0;
	(pc) =	sbr.rel @p1 .LBB2_10-.Ltmp3, $4  }
.Ltmp4:
0x100: {  	s2 =	simm.s32 $0xC000;
	[sflag:s23] =	ssyncadd.s32 $0xFFFFF060;
	(pc) =	sbr.rel @!p1 .LBB2_9-.Ltmp4, $4  }
0x101: {  	[spmem:s4] =	stream.indirect.scatter.add.f32 [tilespmem:s2], [sflag:$0x3], $0x1, s18, s28, $0xb8;
	[tilespmem:$0x19A40] =	vst v63  }
0x102: {  	s31 =	simm.s32 $0xE000;
	p0 =	por $0x1, $0x1  }
0x103: {  	[spmem:s5] =	stream.indirect.scatter.add.f32 [tilespmem:s31], [sflag:$0x3], $0x1, s18, s28, $0xb8;
	[tilespmem:$0x19A40] =	vst v63  }
0x104: {  	_ = 	snop  }
.LBB2_7:
0x105: {  	s2 =	simm.s32 $0xC000  }
0x106: {  	[spmem:s4] =	stream.indirect.scatter.add.f32 [tilespmem:s2], [sflag:$0x3], $0x1, s18, s28, $0xb8;
	[tilespmem:$0x19A40] =	vst v63  }
0x107: {  	s31 =	simm.s32 $0xE000  }
0x108: {  	[spmem:s5] =	stream.indirect.scatter.add.f32 [tilespmem:s31], [sflag:$0x3], $0x1, s18, s28, $0xb8;
	[tilespmem:$0x19A40] =	vst v63  }
.LBB2_9:
0x109: {  	s2 =	smul.u32 $0x1F40, s29;
	_ =	sdelay $0x1  }
0x10a: {  	s2 =	sadd.s32 s2, s19  }
0x10b: {  	s2 =	sshrl.u32 s2, $0x3  }
0x10c: {  	s11 =	sadd.s32 s7, s2  }
0x10d: {  	[tilespmem:s6], [sflag:$0x2] =	stream.linear.gather [hbm4b:s11+s6], $0xFA0, $0x38;
	[tilespmem:$0x19A40] =	vst v63  }
0x10e: {  	s2 =	sadd.s32 s8, s2  }
0x10f: {  	[tilespmem:s26], [sflag:$0x2] =	stream.linear.gather [hbm4b:s2+s6], $0xFA0, $0x38;
	[tilespmem:$0x19A40] =	vst v63  }
0x110: {  	_ =	swait.ge [sflag:s10], $0xFA0  }
0x111: {  	[sflag:s10] =	ssyncset.done $0x0  }
0x112: {  	[sflag:s10] =	ssyncadd.s32 $0xFFFFF060  }
0x113: {  	_ =	swait.ge [sflag:s10], $0xFA0  }
0x114: {  	[sflag:s10] =	ssyncset.done $0x0  }
0x115: {  	s21 =	simm.s32 $0x4000;
	[sflag:s10] =	ssyncadd.s32 $0xFFFFF060  }
0x116: {  	[tilespmem:s21], [sflag:$0x1] =	stream.indirect.gather [spmem:s1], $0x1, s6, s28, $0xb8;
	[tilespmem:$0x19A40] =	vst v63  }
0x117: {  	s22 =	simm.s32 $0x6000  }
0x118: {  	[tilespmem:s22], [sflag:$0x1] =	stream.indirect.gather [spmem:s3], $0x1, s6, s28, $0xb8;
	[tilespmem:$0x19A40] =	vst v63  }
0x119: {  	s30 =	simm.s32 $0x8000  }
0x11a: {  	[tilespmem:s30], [sflag:$0x1] =	stream.indirect.gather [spmem:s1], $0x1, s26, s28, $0xb8;
	[tilespmem:$0x19A40] =	vst v63  }
0x11b: {  	s31 =	simm.s32 $0xA000;
	p0 =	por $0x0, $0x0  }
0x11c: {  	[tilespmem:s31], [sflag:$0x1] =	stream.indirect.gather [spmem:s3], $0x1, s26, s28, $0xb8;
	[tilespmem:$0x19A40] =	vst v63  }
.LBB2_10:
0x11d: {  	_ =	swait.ge [sflag:s17], $0xFA0  }
0x11e: {  	[sflag:s17] =	ssyncset.done $0x0  }
0x11f: {  	[sflag:s17] =	ssyncadd.s32 $0xFFFFF060  }
0x120: {  	_ =	swait.ge [sflag:s17], $0xFA0  }
0x121: {  	[sflag:s17] =	ssyncset.done $0x0  }
0x122: {  	[sflag:s17] =	ssyncadd.s32 $0xFFFFF060  }
0x123: {  	_ =	swait.ge [sflag:s17], $0xFA0  }
0x124: {  	[sflag:s17] =	ssyncset.done $0x0  }
0x125: {  	[sflag:s17] =	ssyncadd.s32 $0xFFFFF060  }
0x126: {  	_ =	swait.ge [sflag:s17], $0xFA0  }
0x127: {  	[sflag:s17] =	ssyncset.done $0x0  }
0x128: {  	s2 =	simm.s32 $0x0;
	[sflag:s17] =	ssyncadd.s32 $0xFFFFF060  }
0x129: {  	v2 =	vld [tilespmem:s2+$0x3000]  }
0x12a: {  	v1 =	vld [tilespmem:s2+$0x7000]  }
0x12b: {  	v3 =	vld [tilespmem:s2+$0x5000]  }
0x12c: {  	v4 =	vld [tilespmem:s2+$0xB000]  }
0x12d: {  	v5 =	vld [tilespmem:s2+$0x9000]  }
0x12e: {  	s30 =	simm.s32 $0x10;
	[tilespmem:s2+$0x11000] =	vst v2  }
0x12f: {  	v2 =	vld [tilespmem:s30+$0x7000]  }
0x130: {  	v6 =	vld [tilespmem:s30+$0x3000]  }
0x131: {  	v18 =	vsub.f32 v4, v1;
	v1 =	vld [tilespmem:s30+$0x5000]  }
0x132: {  	v19 =	vsub.f32 v5, v3;
	v3 =	vld [tilespmem:s30+$0x9000]  }
0x133: {  	v5 =	vld [tilespmem:s30+$0xB000]  }
0x134: {  	v4 =	vmul.f32 v19, v19;
	v7 =	vmul.f32 v18, v18  }
0x135: {  	s31 =	simm.s32 $0x20;
	[tilespmem:s30+$0x11000] =	vst v6  }
0x136: {  	v7 =	vadd.f32 v7, v4;
	v4 =	vld [tilespmem:s31+$0x7000]  }
0x137: {  	v8 =	vsub.f32 v3, v1;
	v3 =	vld [tilespmem:s31+$0x5000]  }
0x138: {  	v1 =	vmax.f32 v7, $1.000000000e-30;
	v9 =	vsub.f32 v5, v2;
	v5 =	vld [tilespmem:s31+$0x9000]  }
0x139: {  	v2 =	vshra.s32 v1, $0x1;
	v1 =	vmul.f32 $5.000000000e-01, v1;
	v10 =	vld [tilespmem:s31+$0x3000]  }
0x13a: {  	v12 =	vld [tilespmem:s31+$0xB000];
	v6 =	vmul.f32 v8, v8;
	v2 =	vsub.s32 $0x5F3759DF, v2  }
0x13b: {  	v13 =	vmul.f32 v9, v9;
	v11 =	vmul.f32 v2, v1;
	_ =	sdelay $0x1  }
0x13c: {  	v13 =	vadd.f32 v13, v6;
	v11 =	vmul.f32 v2, v11  }
0x13d: {  	v3 =	vsub.f32 v5, v3  }
0x13e: {  	s11 =	simm.s32 $0x30;
	v5 =	vmax.f32 v13, $1.000000000e-30;
	[tilespmem:s31+$0x11000] =	vst v10;
	v4 =	vsub.f32 v12, v4;
	v6 =	vsub.f32 $1.500000000e+00, v11  }
0x13f: {  	v10 =	vshra.s32 v5, $0x1;
	v5 =	vmul.f32 $5.000000000e-01, v5;
	v11 =	vld [tilespmem:s11+$0x7000]  }
0x140: {  	v16 =	vld [tilespmem:s11+$0x3000];
	v10 =	vsub.s32 $0x5F3759DF, v10;
	v15 =	vmul.f32 v4, v4;
	v2 =	vmul.f32 v2, v6  }
0x141: {  	v12 =	vld [tilespmem:s11+$0x5000];
	v6 =	vmul.f32 v3, v3;
	v14 =	vmul.f32 v10, v5  }
0x142: {  	v20 =	vld [tilespmem:s11+$0x9000];
	v17 =	vmul.f32 v2, v1  }
0x143: {  	v21 =	vld [tilespmem:s11+$0xB000];
	v14 =	vmul.f32 v10, v14;
	v22 =	vadd.f32 v15, v6  }
0x144: {  	v6 =	vmul.f32 v17, v2  }
0x145: {  	s12 =	simm.s32 $0x40;
	[tilespmem:s11+$0x11000] =	vst v16;
	v14 =	vsub.f32 $1.500000000e+00, v14;
	v15 =	vmax.f32 v22, $1.000000000e-30  }
0x146: {  	v24 =	vld [tilespmem:s12+$0xB000];
	v16 =	vshra.s32 v15, $0x1;
	v23 =	vmul.f32 $5.000000000e-01, v15;
	v17 =	vsub.f32 $1.500000000e+00, v6  }
0x147: {  	v15 =	vld [tilespmem:s12+$0x7000];
	v14 =	vmul.f32 v10, v14;
	v6 =	vsub.f32 v20, v12;
	v12 =	vsub.s32 $0x5F3759DF, v16  }
0x148: {  	v10 =	vsub.f32 v21, v11;
	v11 =	vld [tilespmem:s12+$0x5000];
	v16 =	vmul.f32 v17, v2;
	v2 =	vmul.f32 v12, v23  }
0x149: {  	v21 =	vld [tilespmem:s12+$0x9000];
	v17 =	vmul.f32 v14, v5;
	v20 =	vmul.f32 v6, v6  }
0x14a: {  	v25 =	vmul.f32 v10, v10;
	v2 =	vmul.f32 v12, v2  }
0x14b: {  	v27 =	vld [tilespmem:s12+$0x3000];
	v1 =	vmul.f32 v16, v1;
	v26 =	vmul.f32 v17, v14  }
0x14c: {  	v17 =	vadd.f32 v25, v20;
	v2 =	vsub.f32 $1.500000000e+00, v2  }
0x14d: {  	v20 =	vmul.f32 v1, v16;
	v25 =	vsub.f32 $1.500000000e+00, v26;
	v1 =	vsub.f32 v24, v15  }
0x14e: {  	v12 =	vmul.f32 v12, v2;
	v2 =	vsub.f32 v21, v11  }
0x14f: {  	v11 =	vmax.f32 v17, $1.000000000e-30;
	v26 =	vmul.f32 v1, v1;
	v14 =	vmul.f32 v25, v14  }
0x150: {  	s15 =	simm.s32 $0x50;
	[tilespmem:s12+$0x11000] =	vst v27;
	v15 =	vshra.s32 v11, $0x1;
	v21 =	vmul.f32 $5.000000000e-01, v11;
	v11 =	vsub.f32 $1.500000000e+00, v20  }
0x151: {  	v27 =	vld [tilespmem:s15+$0x7000];
	v20 =	vmul.f32 v2, v2;
	v24 =	vsub.s32 $0x5F3759DF, v15;
	v25 =	vmul.f32 v12, v23  }
0x152: {  	v29 =	vld [tilespmem:s15+$0xB000];
	v5 =	vmul.f32 v14, v5;
	v15 =	vmul.f32 v24, v21  }
0x153: {  	v11 =	vmul.f32 v11, v16;
	v25 =	vmul.f32 v25, v12  }
0x154: {  	v31 =	vld [tilespmem:s15+$0x3000];
	v5 =	vmul.f32 v5, v14;
	v28 =	vmul.f32 v24, v15;
	v15 =	vadd.f32 v26, v20  }
0x155: {  	v16 =	vld [tilespmem:s15+$0x5000];
	v30 =	vmin.f32 v11, $1.000000000e+01;
	v11 =	vmul.f32 v11, v7;
	v25 =	vsub.f32 $1.500000000e+00, v25  }
0x156: {  	v20 =	vld [tilespmem:s15+$0x9000];
	v7 =	vsub.f32 $1.500000000e+00, v5;
	v28 =	vsub.f32 $1.500000000e+00, v28;
	v26 =	vmax.f32 v15, $1.000000000e-30  }
0x157: {  	v5 =	vsub.f32 v29, v27;
	v32 =	vshra.s32 v26, $0x1;
	v26 =	vmul.f32 $5.000000000e-01, v26  }
0x158: {  	v33 =	vmul.f32 v30, v30;
	v24 =	vmul.f32 v24, v28;
	v28 =	vsub.s32 $0x5F3759DF, v32  }
0x159: {  	v12 =	vmul.f32 v25, v12;
	v32 =	vmul.f32 v28, v26  }
0x15a: {  	s16 =	simm.s32 $0x60;
	[tilespmem:s15+$0x11000] =	vst v31;
	v14 =	vmul.f32 v7, v14;
	v31 =	vmul.f32 v5, v5  }
0x15b: {  	v29 =	vld [tilespmem:s16+$0x9000];
	v7 =	vsub.f32 v20, v16;
	v25 =	vmul.f32 v24, v21;
	v16 =	vmul.f32 v28, v32  }
0x15c: {  	v11 =	vmax.f32 v11, $9.999999960e-13;
	v20 =	vmul.f32 v12, v23;
	v23 =	vld [tilespmem:s16+$0x5000];
	v13 =	vmul.f32 v14, v13  }
0x15d: {  	v27 =	vmul.f32 v7, v7;
	v25 =	vmul.f32 v25, v24;
	v16 =	vsub.f32 $1.500000000e+00, v16  }
0x15e: {  	(erf) = vrcp.f32 v11;
	v20 =	vmul.f32 v20, v12;
	v13 =	vmax.f32 v13, $9.999999960e-13  }
0x15f: {  	v25 =	vsub.f32 $1.500000000e+00, v25;
	v28 =	vmul.f32 v28, v16;
	v16 =	vadd.f32 v31, v27;
	v27 =	vld [tilespmem:s16+$0x3000]  }
0x160: {  	v35 =	vmul.f32 v33, v33;
	(erf) = vrcp.f32 v13;
	v31 =	vsub.f32 $1.500000000e+00, v20  }
0x161: {  	v54 =	vld [tilespmem:s16+$0x7000];
	v11 =	vsub.f32 v29, v23;
	v34 =	vmul.f32 v25, v24;
	v25 =	vmul.f32 v28, v26  }
0x162: {  	v24 =	vld [tilespmem:s16+$0xB000];
	v20 =	vmax.f32 v16, $1.000000000e-30;
	v29 =	vmul.f32 v31, v12;
	v31 =	vmul.f32 v35, v33  }
0x163: {  	v23 =	vshra.s32 v20, $0x1;
	v20 =	vmul.f32 $5.000000000e-01, v20;
	v21 =	vmul.f32 v34, v21  }
0x164: {  	s21 =	simm.s32 $0x70;
	v55 =	vsub.s32 $0x5F3759DF, v23;
	v23 =	vmin.f32 v14, $1.000000000e+01;
	v14 =	vmul.f32 v11, v11;
	[tilespmem:s16+$0x11000] =	vst v27  }
0x165: {  	v58 =	vmul.f32 $1.200000000e+01, v31;
	v25 =	vmul.f32 v25, v28;
	v57 =	vld [tilespmem:s21+$0x7000]  }
0x166: {  	v31 =	vmul.f32 $4.000000000e+00, v31;
	v56 =	vmul.f32 v55, v20;
	v36 =	vld [tilespmem:s21+$0x5000]  }
0x167: {  	v21 =	vmul.f32 v21, v34;
	v12 =	vsub.f32 v24, v54;
	v37 =	vld [tilespmem:s21+$0xB000];
	v35 =	vadd.f32 $-6.000000000e+00, v58  }
0x168: {  	v22 =	vmul.f32 v29, v22;
	v38 =	vld [tilespmem:s21+$0x9000];
	v25 =	vsub.f32 $1.500000000e+00, v25;
	v27 =	vmul.f32 v55, v56  }
0x169: {  	v21 =	vsub.f32 $1.500000000e+00, v21;
	v39 =	vmul.f32 v12, v12;
	v13 =	vmul.f32 v35, v31  }
0x16a: {  	v24 =	vmin.f32 v29, $1.000000000e+01;
	v25 =	vmul.f32 v25, v28;
	v28 =	vmul.f32 v23, v23  }
0x16b: {  	v29 =	vsub.f32 $1.500000000e+00, v27;
	v27 =	vmax.f32 v22, $9.999999960e-13;
	v34 =	vmul.f32 v21, v34  }
0x16c: {  	v59 =	vld [tilespmem:s21+$0x3000];
	v22 =	vadd.f32 v39, v14;
	v30 =	vmul.f32 v13, v30;
	v61 =	vmul.f32 v28, v28  }
0x16d: {  	v60 =	vpop (erf);
	v29 =	vmul.f32 v55, v29;
	v14 =	vsub.f32 v37, v57;
	v13 =	vsub.f32 v38, v36  }
0x16e: {  	v21 =	vmax.f32 v22, $1.000000000e-30;
	v62 =	vmul.f32 v30, v60;
	v35 =	vmul.f32 v61, v28  }
0x16f: {  	v31 =	vmul.f32 v29, v20;
	v63 =	vshra.s32 v21, $0x1;
	v21 =	vmul.f32 $5.000000000e-01, v21  }
0x170: {  	v30 =	vmul.f32 v13, v13;
	v32 =	vsub.s32 $0x5F3759DF, v63;
	v19 =	vmul.f32 v62, v19  }
0x171: {  	s22 =	simm.s32 $0x200;
	[tilespmem:s21+$0x11000] =	vst v59;
	v33 =	vmin.f32 v34, $1.000000000e+01;
	v28 =	vmul.f32 v62, v18;
	v18 =	vmovc v24;
	v36 =	vmul.f32 v32, v21  }
.LBB2_11:
0x172: {  	v37 =	vmov v24;
	v24 =	vmov v33  }
0x173: {  	s14 =	sshra.s32 s22, $0x2;
	p1 =	sne.s32 s22, $0x3E40;
	s22 =	sadd.s32 $0x40, s22;
	v26 =	vmul.f32 v25, v26;
	v33 =	vmul.f32 v34, v17;
	v17 =	vmov v15;
	v38 =	vpop (erf);
	[tilespmem:s2+$0xD000] =	vst v19  }
0x174: {  	v15 =	vmovc v16;
	v16 =	vmovc v22;
	v39 =	vmov v10;
	v34 =	vmul.f32 v32, v36;
	v36 =	vmul.f32 $1.200000000e+01, v35;
	v19 =	vld [tilespmem:s14+$0x7000];
	[tilespmem:s2+$0xF000] =	vst v28;
	s2 =	smov.u32 s30;
	s30 =	smov.u32 s31;
	s31 =	smov.u32 s11  }
0x175: {  	v22 =	vmul.f32 v31, v29;
	v10 =	vmovc v1;
	v1 =	vmovc v5;
	v31 =	vmax.f32 v33, $9.999999960e-13;
	v33 =	vmul.f32 $4.000000000e+00, v35;
	s11 =	smov.u32 s12;
	s12 =	smov.u32 s15;
	s15 =	smov.u32 s16;
	v28 =	vld [tilespmem:s14+$0x5000]  }
0x176: {  	v5 =	vmovc v12;
	v12 =	vmovc v14;
	v43 =	vmul.f32 v26, v25;
	s16 =	smov.u32 s21;
	s21 =	smov.u32 s14;
	v34 =	vsub.f32 $1.500000000e+00, v34;
	v36 =	vadd.f32 $-6.000000000e+00, v36;
	v35 =	vld [tilespmem:s14+$0xB000]  }
0x177: {  	v41 =	vmovc v6;
	v14 =	vmul.f32 v14, v12;
	v22 =	vsub.f32 $1.500000000e+00, v22;
	v40 =	vld [tilespmem:s21+$0x9000];
	(erf) = vrcp.f32 v27;
	v27 =	vmovc v31  }
0x178: {  	v6 =	vmovc v2;
	v2 =	vmovc v7;
	v32 =	vmul.f32 v32, v34;
	v34 =	vsub.f32 $1.500000000e+00, v43;
	v33 =	vmul.f32 v36, v33;
	v42 =	vld [tilespmem:s21+$0x3000]  }
0x179: {  	v7 =	vmovc v11;
	v11 =	vmovc v13;
	v37 =	vmul.f32 v37, v18;
	v26 =	vmov v20;
	v36 =	vmul.f32 v22, v29  }
0x17a: {  	v22 =	vadd.f32 v14, v30;
	v31 =	vmul.f32 v32, v21;
	v30 =	vmul.f32 v33, v23;
	v29 =	vmovc v32  }
.Ltmp5:
0x17b: {  	v34 =	vmul.f32 v34, v25;
	v25 =	vmovc v36;
	v14 =	vsub.f32 v35, v19;
	v19 =	vmul.f32 v37, v37;
	(pc) =	sbr.rel @p1 .LBB2_11-.Ltmp5, $4  }
0x17c: {  	v20 =	vmovc v21;
	v23 =	vmovc v18;
	v38 =	vmul.f32 v30, v38;
	v13 =	vsub.f32 v40, v28;
	v28 =	vmax.f32 v22, $1.000000000e-30  }
0x17d: {  	v18 =	vmovc v24;
	[tilespmem:s21+$0x11000] =	vst v42;
	v32 =	vshra.s32 v28, $0x1;
	v21 =	vmul.f32 $5.000000000e-01, v28;
	v35 =	vmul.f32 v19, v37  }
0x17e: {  	v19 =	vmul.f32 v38, v8;
	v8 =	vmovc v3;
	v3 =	vmovc v41;
	v30 =	vmul.f32 v13, v13;
	v32 =	vsub.s32 $0x5F3759DF, v32  }
0x17f: {  	v33 =	vmin.f32 v34, $1.000000000e+01;
	v28 =	vmul.f32 v38, v9;
	v9 =	vmovc v4;
	v4 =	vmovc v39;
	v36 =	vmul.f32 v32, v21  }
0x180: {  	v37 =	vmul.f32 $1.200000000e+01, v35;
	v26 =	vmul.f32 v25, v26  }
0x181: {  	v17 =	vmul.f32 v34, v17;
	v62 =	vmul.f32 $4.000000000e+00, v35  }
0x182: {  	v31 =	vmul.f32 v31, v29;
	v38 =	vmul.f32 v14, v14  }
0x183: {  	(erf) = vrcp.f32 v27;
	v24 =	vmul.f32 v24, v18  }
0x184: {  	v49 =	vmul.f32 v33, v33;
	v36 =	vmul.f32 v32, v36;
	v63 =	vadd.f32 $-6.000000000e+00, v37  }
0x185: {  	v26 =	vmul.f32 v26, v25;
	v31 =	vsub.f32 $1.500000000e+00, v31;
	v30 =	vadd.f32 v38, v30  }
0x186: {  	v43 =	vmul.f32 v24, v24;
	v17 =	vmax.f32 v17, $9.999999960e-13;
	v50 =	vmul.f32 v49, v49  }
0x187: {  	v36 =	vsub.f32 $1.500000000e+00, v36;
	(erf) = vrcp.f32 v17;
	v34 =	vmul.f32 v63, v62  }
0x188: {  	v26 =	vsub.f32 $1.500000000e+00, v26;
	v41 =	vmul.f32 v31, v29;
	v24 =	vmul.f32 v43, v24  }
0x189: {  	v35 =	vmax.f32 v30, $1.000000000e-30;
	v53 =	vmul.f32 v50, v49;
	v39 =	vmul.f32 v32, v36  }
0x18a: {  	v46 =	vmul.f32 $5.000000000e-01, v35;
	v23 =	vmul.f32 v34, v23  }
0x18b: {  	v44 =	vmul.f32 v26, v25;
	v20 =	vmul.f32 v41, v20  }
0x18c: {  	v45 =	vshra.s32 v35, $0x1;
	v48 =	vmul.f32 $1.200000000e+01, v24;
	v24 =	vmul.f32 $4.000000000e+00, v24  }
0x18d: {  	v40 =	vpop (erf);
	v26 =	vsub.s32 $0x5F3759DF, v45;
	v57 =	vmul.f32 $1.200000000e+01, v53;
	v42 =	vmul.f32 v39, v21  }
0x18e: {  	v47 =	vmul.f32 v26, v46;
	v23 =	vmul.f32 v23, v40  }
0x18f: {  	v15 =	vmul.f32 v44, v15;
	v20 =	vmul.f32 v20, v41  }
0x190: {  	v25 =	vmin.f32 v44, $1.000000000e+01;
	v34 =	vmul.f32 v26, v47;
	v31 =	vmul.f32 v42, v39  }
0x191: {  	v60 =	vmul.f32 v25, v25;
	v8 =	vmul.f32 v23, v8  }
0x192: {  	v9 =	vmul.f32 v23, v9;
	v23 =	vadd.f32 $-6.000000000e+00, v48;
	v34 =	vsub.f32 $1.500000000e+00, v34  }
0x193: {  	v20 =	vsub.f32 $1.500000000e+00, v20;
	v15 =	vmax.f32 v15, $9.999999960e-13;
	v62 =	vmul.f32 v60, v60  }
0x194: {  	v31 =	vsub.f32 $1.500000000e+00, v31;
	(erf) = vrcp.f32 v15;
	v51 =	vmul.f32 v26, v34  }
0x195: {  	v23 =	vmul.f32 v23, v24;
	v20 =	vmul.f32 v20, v41  }
0x196: {  	v55 =	vmul.f32 v31, v39;
	v56 =	vmul.f32 v51, v46  }
0x197: {  	v52 =	vmul.f32 v23, v18;
	v23 =	vmul.f32 $4.000000000e+00, v53  }
0x198: {  	v24 =	vadd.f32 $-6.000000000e+00, v57;
	v16 =	vmul.f32 v20, v16;
	v27 =	vmul.f32 v56, v51  }
0x199: {  	v54 =	vpop (erf);
	v20 =	vmin.f32 v20, $1.000000000e+01;
	v58 =	vmul.f32 v55, v21;
	v21 =	vmul.f32 v62, v60  }
0x19a: {  	v37 =	vmul.f32 v20, v20;
	v18 =	vmul.f32 v52, v54;
	v59 =	vsub.f32 $1.500000000e+00, v27  }
0x19b: {  	v23 =	vmul.f32 v24, v23;
	v35 =	vmul.f32 $1.200000000e+01, v21  }
0x19c: {  	v3 =	vmul.f32 v18, v3;
	v17 =	vmul.f32 v59, v51  }
0x19d: {  	v4 =	vmul.f32 v18, v4;
	v18 =	vmul.f32 v58, v55  }
0x19e: {  	v38 =	vmul.f32 v37, v37;
	v63 =	vmul.f32 v17, v46  }
0x19f: {  	v21 =	vmul.f32 $4.000000000e+00, v21;
	v23 =	vmul.f32 v23, v33;
	v32 =	vsub.f32 $1.500000000e+00, v18  }
0x1a0: {  	v61 =	vpop (erf);
	v41 =	vmul.f32 v38, v37;
	v34 =	vmul.f32 v63, v17  }
0x1a1: {  	v16 =	vmax.f32 v16, $9.999999960e-13;
	v33 =	vmul.f32 v23, v61;
	v15 =	vmul.f32 v32, v55  }
0x1a2: {  	(erf) = vrcp.f32 v16;
	v18 =	vadd.f32 $-6.000000000e+00, v35;
	v23 =	vsub.f32 $1.500000000e+00, v34  }
0x1a3: {  	v45 =	vmul.f32 $1.200000000e+01, v41;
	v6 =	vmul.f32 v33, v6;
	v36 =	vmin.f32 v15, $1.000000000e+01  }
0x1a4: {  	v39 =	vmul.f32 v36, v36;
	v17 =	vmul.f32 v23, v17  }
0x1a5: {  	v10 =	vmul.f32 v33, v10;
	v40 =	vmul.f32 v18, v21  }
0x1a6: {  	v15 =	vmul.f32 v15, v22;
	v43 =	vmul.f32 v39, v39;
	v42 =	vmin.f32 v17, $1.000000000e+01  }
0x1a7: {  	v18 =	vmul.f32 $4.000000000e+00, v41;
	v44 =	vmul.f32 v42, v42  }
0x1a8: {  	v15 =	vmax.f32 v15, $9.999999960e-13;
	v22 =	vmul.f32 v43, v39;
	v17 =	vmul.f32 v17, v30  }
0x1a9: {  	(erf) = vrcp.f32 v15;
	v46 =	vmul.f32 v44, v44  }
0x1aa: {  	v47 =	vadd.f32 $-6.000000000e+00, v45;
	v48 =	vmul.f32 $1.200000000e+01, v22;
	v17 =	vmax.f32 v17, $9.999999960e-13  }
0x1ab: {  	[tilespmem:s2+$0xD000] =	vst v19;
	(erf) = vrcp.f32 v17;
	v15 =	vmul.f32 v46, v44  }
0x1ac: {  	[tilespmem:s2+$0xF000] =	vst v28;
	v16 =	vmul.f32 v40, v25;
	v49 =	vmul.f32 v47, v18  }
0x1ad: {  	[tilespmem:s30+$0xD000] =	vst v8;
	v50 =	vpop (erf);
	v51 =	vmul.f32 $4.000000000e+00, v22;
	v52 =	vadd.f32 $-6.000000000e+00, v48;
	v53 =	vmul.f32 $1.200000000e+01, v15  }
0x1ae: {  	[tilespmem:s30+$0xF000] =	vst v9;
	v54 =	vmul.f32 v16, v50;
	v55 =	vmul.f32 v49, v20  }
0x1af: {  	[tilespmem:s31+$0xD000] =	vst v3;
	v56 =	vpop (erf);
	v3 =	vmul.f32 v52, v51;
	v57 =	vmul.f32 $4.000000000e+00, v15;
	v58 =	vadd.f32 $-6.000000000e+00, v53  }
0x1b0: {  	[tilespmem:s31+$0xF000] =	vst v4;
	v2 =	vmul.f32 v54, v2;
	v59 =	vmul.f32 v55, v56  }
0x1b1: {  	[tilespmem:s11+$0xD000] =	vst v6;
	v3 =	vmul.f32 v3, v36;
	v60 =	vmul.f32 v58, v57  }
0x1b2: {  	[tilespmem:s11+$0xF000] =	vst v10;
	v1 =	vmul.f32 v54, v1;
	v7 =	vmul.f32 v59, v7;
	v61 =	vpop (erf)  }
0x1b3: {  	[tilespmem:s12+$0xD000] =	vst v2;
	v2 =	vmul.f32 v3, v61;
	v3 =	vmul.f32 v60, v42  }
0x1b4: {  	[tilespmem:s12+$0xF000] =	vst v1;
	v1 =	vmul.f32 v59, v5;
	v62 =	vpop (erf)  }
0x1b5: {  	[tilespmem:s15+$0xD000] =	vst v7;
	v63 =	vmul.f32 v2, v11;
	v3 =	vmul.f32 v3, v62  }
0x1b6: {  	[tilespmem:s15+$0xF000] =	vst v1;
	v1 =	vmul.f32 v2, v12  }
0x1b7: {  	[tilespmem:s16+$0xD000] =	vst v63;
	v2 =	vmul.f32 v3, v13  }
0x1b8: {  	[tilespmem:s16+$0xF000] =	vst v1;
	v1 =	vmul.f32 v3, v14  }
0x1b9: {  	[tilespmem:s21+$0xD000] =	vst v2  }
0x1ba: {  	[tilespmem:s21+$0xF000] =	vst v1  }
0x1bb: {  	_ =	swait.ge [sflag:s23], $0xFA0  }
0x1bc: {  	[sflag:s23] =	ssyncset.done $0x0  }
0x1bd: {  	[sflag:s23] =	ssyncadd.s32 $0xFFFFF060  }
0x1be: {  	s2 =	smul.u32 @!p0 $0x1F40, s29;
	_ =	swait.ge [sflag:s23], $0xFA0  }
0x1bf: {  	[sflag:s23] =	ssyncset.done $0x0  }
0x1c0: {  	s2 =	sadd.s32 @!p0 s2, s20;
	s31 =	simm.s32 $0xD000;
	[sflag:s23] =	ssyncadd.s32 $0xFFFFF060  }
0x1c1: {  	[spmem:s4] =	stream.indirect.scatter.add.f32 [tilespmem:s31], [sflag:$0x3], $0x1, s13, s28, $0xb8;
	[tilespmem:$0x19A40] =	vst v63  }
0x1c2: {  	s2 =	sshrl.u32 @!p0 s2, $0x3  }
0x1c3: {  	[spmem:s5] =	stream.indirect.scatter.add.f32 [tilespmem:s24], [sflag:$0x3], $0x1, s13, s28, $0xb8;
	[tilespmem:$0x19A40] =	vst v63  }
0x1c4: {  	s14 =	simm.s32 @!p0 $0x1000;
	s11 =	sadd.s32 @!p0 s7, s2;
	s12 =	simm.s32 @!p0 $0x0  }
0x1c5: {  	[tilespmem:s14], [sflag:$0x2] =	stream.linear.gather @!p0 [hbm4b:s11+s12], $0xFA0, $0x38;
	[tilespmem:$0x19A40] =	vst v63  }
0x1c6: {  	s29 =	sadd.s32 $0x1, s29;
	s2 =	sadd.s32 @!p0 s8, s2;
	s11 =	simm.s32 @!p0 $0x3000  }
0x1c7: {  	[tilespmem:s11], [sflag:$0x2] =	stream.linear.gather @!p0 [hbm4b:s2+s12], $0xFA0, $0x38;
	[tilespmem:$0x19A40] =	vst v63  }
0x1c8: {  	p0 =	sne.s32 s29, $0x19  }
.Ltmp6:
0x1c9: {  	_ = 	snop;
	(pc) =	sbr.rel @p0 .LBB2_4-.Ltmp6, $1  }
0x1ca: {  	_ =	sdelay $0x3  }
0x1cb: {  	_ =	swait.ge [sflag:s23], $0xFA0  }
0x1cc: {  	[sflag:s23] =	ssyncset.done $0x0  }
0x1cd: {  	[sflag:s23] =	ssyncadd.s32 $0xFFFFF060  }
0x1ce: {  	_ =	swait.ge [sflag:s23], $0xFA0  }
0x1cf: {  	[sflag:s23] =	ssyncset.done $0x0  }
0x1d0: {  	[sflag:s23] =	ssyncadd.s32 $0xFFFFF060  }
0x1d1: {  	[bflag:$0x0] =	sbarrier.arrive $0xFFFF  }
0x1d2: {  	s14 =	simm.s32 $0x12000;
	s12 =	rddreg [dreg:$0xb]  }
0x1d3: {  	[tilespmem:s14], [sflag:$0x4] =	stream.linear.gather [spmem:s12], $0x1870, $0x38;
	[tilespmem:$0x19A40] =	vst v63  }
0x1d4: {  	_ =	swait.ge [sflag:s25], $0x1870  }
0x1d5: {  	[sflag:s25] =	ssyncset.done $0x0  }
0x1d6: {  	s2 =	rddreg [dreg:$0x11];
	[sflag:s25] =	ssyncadd.s32 $0xFFFFE790  }
0x1d7: {  	[hbm4b:s2+s6] =	stream.linear.scatter [tilespmem:s14], [sflag:$0x4], $0x1870, $0x38;
	[tilespmem:$0x19A40] =	vst v63  }
0x1d8: {  	_ =	swait.ge [sflag:s25], $0x1870  }
0x1d9: {  	[sflag:s25] =	ssyncset.done $0x0  }
0x1da: {  	s15 =	rddreg [dreg:$0xc];
	[sflag:s25] =	ssyncadd.s32 $0xFFFFE790  }
0x1db: {  	[tilespmem:s14], [sflag:$0x4] =	stream.linear.gather [spmem:s15], $0x1870, $0x38;
	[tilespmem:$0x19A40] =	vst v63  }
0x1dc: {  	_ =	swait.ge [sflag:s25], $0x1870  }
0x1dd: {  	[sflag:s25] =	ssyncset.done $0x0  }
0x1de: {  	s30 =	rddreg [dreg:$0x12];
	[sflag:s25] =	ssyncadd.s32 $0xFFFFE790  }
0x1df: {  	[hbm4b:s30+s6] =	stream.linear.scatter [tilespmem:s14], [sflag:$0x4], $0x1870, $0x38;
	[tilespmem:$0x19A40] =	vst v63  }
0x1e0: {  	_ =	swait.ge [sflag:s25], $0x1870  }
0x1e1: {  	s11 =	rddreg [dreg:$0x14]  }
0x1e2: {  	s31 =	rddreg [dreg:$0x13];
	s11 =	sadd.s32 $0x1, s11  }
0x1e3: {  	p0 =	sne.s32 s11, s31  }
.Ltmp7:
0x1e4: {  	_ = 	snop;
	(pc) =	sbr.rel @p0 .LBB2_1-.Ltmp7, $3  }
0x1e5: {  	_ =	sdelay $0x1  }
0x1e6: {  	[sflag:s25] =	ssyncset.done $0x0  }
0x1e7: {  	[sflag:s25] =	ssyncadd.s32 $0xFFFFE790  }
0x1e8: {  	_ =	sfence.sel $0x180000  }
0x1e9: {  	[bflag:$0x0] =	sbarrier.arrive $0xFFFF  }
0x1ea: {  	_ =	strace $0x90000047  }
0x1eb: {  	s0 =	stileid.u32;
	[bflag:$0x2] =	sbarrier.arrive $0xFFFF  }
0x1ec: {  	p0 =	sne.s32 s0, $0x0;
	s0 =	rddreg [dreg:$0x6]  }
0x1ed: {  	s0 =	sadd.s32 @!p0 $0x100000, s0  }
0x1ee: {  	[sflag:s0] =	ssyncadd.tile.s32 @!p0 $0x1;
	_ =	shalt  }
.Lfunc_end2:
_tile_overlayer_lowered:
.L_overlay_start_2:
0x1ef: {  	(tag) =	ssettag $0x2  }
0x1f0: {  	s0 =	rddreg [dreg:$0x0];
	s2 =	stileid.u32  }
0x1f1: {  	s1 =	rddreg [dreg:$0x1];
	p0 =	sne.s32 s2, $0x0  }
0x1f2: {  	s3 =	rddreg [dreg:$0x2];
	[bflag:$0x3] =	sbarrier.arrive $0xFFFF;
	s2 =	simm.s32 @!p0 $0x1C04  }
0x1f3: {  	[timem:s3], [sflag:s2] =	dma.local @!p0 [hbm:s0], s1  }
0x1f4: {  	s0 =	simm.s32 @!p0 $0x4  }
0x1f5: {  	_ =	swait.ge @!p0 [sflag:s0], s1  }
0x1f6: {  	s1 =	ssub.s32 @!p0 $0x0, s1;
	[sflag:s0] =	ssyncset.done @!p0 $0x0  }
0x1f7: {  	[sflag:s0] =	ssyncadd.s32 @!p0 s1  }
0x1f8: {  	[bflag:$0x3] =	sbarrier.arrive $0xFFFF  }
0x1f9: {  	_ =	shalt  }

</sc_bundles>
